<compile_context>
chip_gen: v7x
topology: tpu7x:2x2x1
jax: 0.10.2.dev20260603
libtpu: 0.0.44.dev20260713+nightly
codegen_flags: <defaults>
</compile_context>

<pallas_src>
import jax
import jax.numpy as jnp
from jax.experimental import pallas as pl

RESIZE = (512.0, 512.0)
TOP_K = 1000
N_OBJS = 1000
KP_THRES = 0.3
IOU_THRES = 0.5


def _outer_kernel(hy_ref, hx_ref, out_ref):
    out_ref[...] = hy_ref[...][:, :, None] * hx_ref[...][:, None, :]


def _outer(heatmap_y, heatmap_x):
    B, H = heatmap_y.shape
    W = heatmap_x.shape[1]
    return pl.pallas_call(
        _outer_kernel,
        out_shape=jax.ShapeDtypeStruct((B, H, W), jnp.float32),
    )(heatmap_y, heatmap_x)


def _max_pool_keep(hms):
    pooled = jax.lax.reduce_window(
        hms, -jnp.inf, jax.lax.max, (1, 3, 3, 1), (1, 1, 1, 1), "SAME"
    )
    keep = (pooled == hms).astype(hms.dtype)
    return hms * keep


def _pairwise_iou(boxes):
    y1, x1, y2, x2 = boxes[:, 0], boxes[:, 1], boxes[:, 2], boxes[:, 3]
    area = jnp.maximum(y2 - y1, 0.0) * jnp.maximum(x2 - x1, 0.0)
    yy1 = jnp.maximum(y1[:, None], y1[None, :])
    xx1 = jnp.maximum(x1[:, None], x1[None, :])
    yy2 = jnp.minimum(y2[:, None], y2[None, :])
    xx2 = jnp.minimum(x2[:, None], x2[None, :])
    inter = jnp.maximum(yy2 - yy1, 0.0) * jnp.maximum(xx2 - xx1, 0.0)
    union = area[:, None] + area[None, :] - inter
    return inter / jnp.maximum(union, 1e-9)


def _nms_single(boxes, scores):
    n = boxes.shape[0]
    order = jnp.argsort(-scores)
    b = boxes[order]
    s = scores[order]
    iou = _pairwise_iou(b)
    idxs = jnp.arange(n)

    def body(i, keep):
        sup = (iou[i] > IOU_THRES) & keep[i] & (idxs > i)
        return keep & (~sup)

    keep = jax.lax.fori_loop(0, n, body, jnp.ones((n,), dtype=bool))
    masked = jnp.where(keep, s, -jnp.inf)
    ord2 = jnp.argsort(-masked)
    out_s_raw = masked[ord2]
    out_b = b[ord2]
    valid = jnp.isfinite(out_s_raw)
    out_s = jnp.where(valid, out_s_raw, 0.0)
    out_b = jnp.where(valid[:, None], out_b, 0.0)
    out_c = jnp.zeros_like(out_s)
    return out_b[:N_OBJS], out_s[:N_OBJS], out_c[:N_OBJS]


def kernel(heatmap_y, heatmap_x, obj_size_maps, origin_shapes):
    resize_shape = jnp.asarray(RESIZE, dtype=jnp.float32)
    resize_ratio = origin_shapes / resize_shape
    heatmap = _outer(heatmap_y, heatmap_x)
    hms = _max_pool_keep(heatmap[..., None])
    B, H, W, _ = hms.shape
    flat = hms[..., 0].reshape(B, H * W)
    _, top_idx = jax.lax.top_k(flat, TOP_K)
    ys = top_idx // W
    xs = top_idx % W
    b_idx = jnp.arange(B)[:, None]
    b_size_vals = obj_size_maps[b_idx, ys, xs]
    b_scores = flat[b_idx, top_idx]
    b_centers = jnp.stack([ys, xs], axis=-1).astype(jnp.float32)
    b_tls = b_centers - b_size_vals / 2.0
    b_brs = b_centers + b_size_vals / 2.0
    b_tls = jnp.where(b_tls < 0.0, 0.0, b_tls)
    b_br_y = jnp.where(b_brs[..., :1] > resize_shape[0] - 1.0, resize_shape[0] - 1.0, b_brs[..., :1])
    b_br_x = jnp.where(b_brs[..., 1:] > resize_shape[1] - 1.0, resize_shape[1] - 1.0, b_brs[..., 1:])
    b_brs = jnp.concatenate([b_br_y, b_br_x], axis=-1)
    b_bboxes = jnp.concatenate([b_tls, b_brs], axis=-1)
    b_bboxes = b_bboxes * jnp.tile(resize_ratio[:, None, :], (1, 1, 2))
    mask = b_scores > KP_THRES
    boxes_o = jnp.where(mask[..., None], b_bboxes, -1.0)
    scores_o = jnp.where(mask, b_scores, -1.0)
    nb, ns, nc = jax.vmap(_nms_single)(boxes_o, scores_o)
    box_results = jnp.where(nb == -1.0, jnp.inf, nb)
    box_results = jnp.where(box_results - 1.0 == -1.0, jnp.inf, box_results)
    out = jnp.concatenate([box_results, ns[..., None], nc[..., None]], axis=-1)
    return out.reshape(-1, N_OBJS, 6)

# --- scband reference (transcript-rebuilt; emitter-appended) ---
"""Pipeline reference for scband-gpost-model-10617159155778 (READ-ONLY COPY).

The authoritative reference and input builder live on the scoring server;
editing this copy changes nothing except your own understanding.
"""

import jax, jax.numpy as jnp
import numpy as np

RESIZE = (512.0, 512.0)
TOP_K = 1000
N_OBJS = 1000
KP_THRES = 0.3
IOU_THRES = 0.5


def setup_inputs(seed: int = 0) -> dict:
    key = jax.random.key(seed)
    k1, k2, k3 = jax.random.split(key, 3)
    B, H, W = 8, 512, 512
    heatmap_y = jax.random.uniform(k1, (B, H), dtype=jnp.float32)
    heatmap_x = jax.random.uniform(k2, (B, W), dtype=jnp.float32)
    # object sizes in pixels at resize resolution, uniform in [0, 64)
    obj_size_maps = jax.random.uniform(k3, (B, H, W, 2), dtype=jnp.float32) * 64.0
    # original image shapes (1024x1024) -> resize_ratio = 2.0
    origin_shapes = jnp.ones((B, 2), dtype=jnp.float32) * 1024.0
    return {
        "heatmap_y": heatmap_y,
        "heatmap_x": heatmap_x,
        "obj_size_maps": obj_size_maps,
        "origin_shapes": origin_shapes,
    }


def _max_pool_keep(hms):
    # Base.apply_max_pool: 3x3 stride-1 SAME max pool, keep only local peaks
    pooled = jax.lax.reduce_window(
        hms, -jnp.inf, jax.lax.max, (1, 3, 3, 1), (1, 1, 1, 1), "SAME"
    )
    keep = (pooled == hms).astype(hms.dtype)
    return hms * keep


def _pairwise_iou(boxes):
    # boxes: [N, 4] in (y1, x1, y2, x2)
    y1, x1, y2, x2 = boxes[:, 0], boxes[:, 1], boxes[:, 2], boxes[:, 3]
    area = jnp.maximum(y2 - y1, 0.0) * jnp.maximum(x2 - x1, 0.0)
    yy1 = jnp.maximum(y1[:, None], y1[None, :])
    xx1 = jnp.maximum(x1[:, None], x1[None, :])
    yy2 = jnp.minimum(y2[:, None], y2[None, :])
    xx2 = jnp.minimum(x2[:, None], x2[None, :])
    inter = jnp.maximum(yy2 - yy1, 0.0) * jnp.maximum(xx2 - xx1, 0.0)
    union = area[:, None] + area[None, :] - inter
    return inter / jnp.maximum(union, 1e-9)


def _nms_single(boxes, scores):
    # greedy NMS mimicking tf.image.combined_non_max_suppression (q=1 class)
    n = boxes.shape[0]
    order = jnp.argsort(-scores)
    b = boxes[order]
    s = scores[order]
    iou = _pairwise_iou(b)
    idxs = jnp.arange(n)

    def body(i, keep):
        sup = (iou[i] > IOU_THRES) & keep[i] & (idxs > i)
        return keep & (~sup)

    keep = jax.lax.fori_loop(0, n, body, jnp.ones((n,), dtype=bool))
    masked = jnp.where(keep, s, -jnp.inf)
    ord2 = jnp.argsort(-masked)
    out_s_raw = masked[ord2]
    out_b = b[ord2]
    valid = jnp.isfinite(out_s_raw)
    out_s = jnp.where(valid, out_s_raw, 0.0)
    out_b = jnp.where(valid[:, None], out_b, 0.0)
    out_c = jnp.zeros_like(out_s)
    return out_b[:N_OBJS], out_s[:N_OBJS], out_c[:N_OBJS]


def reference(heatmap_y, heatmap_x, obj_size_maps, origin_shapes):
    resize_shape = jnp.asarray(RESIZE, dtype=jnp.float32)
    resize_ratio = origin_shapes / resize_shape  # [B, 2]
    # heatmap = outer product of 1D heatmaps: [B, H, W]
    heatmap = jnp.matmul(heatmap_y[..., None], heatmap_x[:, None, :])
    hms = _max_pool_keep(heatmap[..., None])  # [B, H, W, 1]
    B, H, W, _ = hms.shape
    flat = hms[..., 0].reshape(B, H * W)
    _, top_idx = jax.lax.top_k(flat, TOP_K)  # Base.top_k_loc
    ys = top_idx // W
    xs = top_idx % W
    b_idx = jnp.arange(B)[:, None]
    # gather_nd(size_maps, [b, y, x]) -> [B, K, 2]
    b_size_vals = obj_size_maps[b_idx, ys, xs]
    # gather_nd(hms, [b, y, x, c]) -> [B, K]
    b_scores = flat[b_idx, top_idx]
    b_centers = jnp.stack([ys, xs], axis=-1).astype(jnp.float32)
    b_tls = b_centers - b_size_vals / 2.0
    b_brs = b_centers + b_size_vals / 2.0
    b_tls = jnp.where(b_tls < 0.0, 0.0, b_tls)
    b_br_y = jnp.where(b_brs[..., :1] > resize_shape[0] - 1.0, resize_shape[0] - 1.0, b_brs[..., :1])
    b_br_x = jnp.where(b_brs[..., 1:] > resize_shape[1] - 1.0, resize_shape[1] - 1.0, b_brs[..., 1:])
    b_brs = jnp.concatenate([b_br_y, b_br_x], axis=-1)
    b_bboxes = jnp.concatenate([b_tls, b_brs], axis=-1)  # [B, K, 4] (y1,x1,y2,x2)
    # Base.resize_back: scale back to original-image coordinates
    b_bboxes = b_bboxes * jnp.tile(resize_ratio[:, None, :], (1, 1, 2))
    # kp_thres masking + scatter into -1 tensor (n_objs == top_k_n -> elementwise where)
    mask = b_scores > KP_THRES
    boxes_o = jnp.where(mask[..., None], b_bboxes, -1.0)
    scores_o = jnp.where(mask, b_scores, -1.0)
    nb, ns, nc = jax.vmap(_nms_single)(boxes_o, scores_o)
    box_results = jnp.where(nb == -1.0, jnp.inf, nb)
    box_results = jnp.where(box_results - 1.0 == -1.0, jnp.inf, box_results)
    out = jnp.concatenate([box_results, ns[..., None], nc[..., None]], axis=-1)
    return out.reshape(-1, N_OBJS, 6)

if __name__ == "__main__":
    import jax
    _d = setup_inputs()
    print(jax.jit(kernel)(*tuple(_d.values())))

</pallas_src>

<mosaic_0001>
module attributes {stable_mosaic.version = 14 : i64} {
  func.func @_outer_kernel(%arg0: memref<8x512xf32, #tpu.memory_space<vmem>>, %arg1: memref<8x512xf32, #tpu.memory_space<vmem>>, %arg2: memref<8x512x512xf32, #tpu.memory_space<vmem>>) attributes {dimension_semantics = [], scalar_prefetch = 0 : i64, scratch_operands = 0 : i64, tpu.core_type = #tpu.core_type<tc>} {
    %get3A = arith.constant 0 : index
    %get3A_0 = arith.constant 0 : index
    %get3A_1 = vector.load %arg0[%get3A, %get3A_0] : memref<8x512xf32, #tpu.memory_space<vmem>>, vector<8x512xf32>
    %broadcast_in_dim3A = vector.shape_cast %get3A_1 : vector<8x512xf32> to vector<8x512x1xf32>
    %get3A_2 = arith.constant 0 : index
    %get3A_3 = arith.constant 0 : index
    %get3A_4 = vector.load %arg1[%get3A_2, %get3A_3] : memref<8x512xf32, #tpu.memory_space<vmem>>, vector<8x512xf32>
    %broadcast_in_dim3A_5 = vector.shape_cast %get3A_4 : vector<8x512xf32> to vector<8x1x512xf32>
    %mul3A = vector.broadcast %broadcast_in_dim3A : vector<8x512x1xf32> to vector<8x512x512xf32>
    %mul3A_6 = vector.broadcast %broadcast_in_dim3A_5 : vector<8x1x512xf32> to vector<8x512x512xf32>
    %mul3A_7 = arith.mulf %mul3A, %mul3A_6 : vector<8x512x512xf32>
    %swap3A = arith.constant 0 : index
    %swap3A_8 = arith.constant 0 : index
    %swap3A_9 = arith.constant 0 : index
    %swap3A_10 = vector.load %arg2[%swap3A, %swap3A_8, %swap3A_9] : memref<8x512x512xf32, #tpu.memory_space<vmem>>, vector<8x512x512xf32>
    tpu.vector_store %arg2[%swap3A, %swap3A_8, %swap3A_9], %mul3A_7 {strides = array<i32>} : memref<8x512x512xf32, #tpu.memory_space<vmem>>, vector<8x512x512xf32>,
    return
  }
}

</mosaic_0001>

<sc_bundles>
// kernel: gather_offload_async_start.1
scs
__scs_entry_jumppad:
0x0: {  	(pc) =	sbr.rel $0x88, $3  }
0x1: {  	(tag) =	ssettag $0x0;
	lr =	simm.s32 $0x1  }
0x2: {  	[smem:$0x3F9D] =	sst lr;
	_ =	strace $0xD0000000  }
0x3: {  	_ = 	snop  }
0x4: {  	_ = 	snop  }
0x5: {  	_ = 	snop  }
0x6: {  	_ = 	snop  }
0x7: {  	_ = 	snop  }
__scs_overlays_trampoline_lowered:
0x8: {  	[smem:$0x3FAC] =	sst s0  }
0x9: {  	[smem:$0x3FAD] =	sst s1  }
0xa: {  	[smem:$0x3FAE] =	sst s2  }
0xb: {  	[smem:$0x3FAF] =	sst s3  }
0xc: {  	[smem:$0x3FB0] =	sst s4  }
0xd: {  	[smem:$0x3FB1] =	sst s5  }
0xe: {  	[smem:$0x3FB2] =	sst s6  }
0xf: {  	[smem:$0x3FB3] =	sst s7  }
0x10: {  	[smem:$0x3FB4] =	sst s8  }
0x11: {  	[smem:$0x3FB5] =	sst s9;
	s0 =	simm.s32 @!p0 $0x0  }
0x12: {  	s1 =	sld [smem:$0x3F9B];
	s0 =	simm.s32 @p0 $0x1  }
0x13: {  	[smem:$0x3FB6] =	sst s0;
	s0 =	simm.s32 @!p1 $0x0  }
0x14: {  	s2 =	sld [smem:$0x3F9A];
	s0 =	simm.s32 @p1 $0x1  }
0x15: {  	[smem:$0x3FB7] =	sst s0;
	s0 =	simm.s32 @!p2 $0x0  }
0x16: {  	s3 =	sld [smem:$0x3FDB];
	s0 =	simm.s32 @p2 $0x1  }
0x17: {  	s4 =	simm.s32 $0x1BF5;
	[smem:$0x3FB9] =	sst s0  }
0x18: {  	s0 =	sld [smem:$0x3F9C];
	_ =	swait.ge [sflag:s4], $0x0  }
0x19: {  	s7 =	sld [smem:$0x3F9D]  }
0x1a: {  	s8 =	sadd.s32 $0xFFFFE003, lr  }
0x1b: {  	s9 =	sadd.s32 $0xFFFFFEF7, lr;
	s5 =	simm.s32 $0xFFFFFFFF;
	p2 =	slt.u32 s8, $0xFFFFF086  }
0x1c: {  	p1 =	slt.u32 s9, $0xF7A;
	s5 =	simm.s32 @!p2 $0x0  }
0x1d: {  	s5 =	simm.s32 @p1 $0x1;
	p0 =	seq.s32 s7, s2  }
0x1e: {  	s7 =	smul.u32 @!p0 $0xF7A, s2;
	p2 =	seq.s32 @!p0 s5, $0x0  }
0x1f: {  	s9 =	smul.u32 $0xF7A, s1;
	s8 =	simm.s32 @!p0 $0x1BF5;
	p2 =	por !p2, p0  }
0x20: {  	[sflag:s8] =	ssyncset.s32 @!p0 $0xFFFFF086;
	s6 =	sadd.s32 @!p0 s3, s7;
	s7 =	simm.s32 @!p0 $0x108  }
0x21: {  	s3 =	sadd.s32 s3, s9;
	s6 =	sadd.s32 @!p0 $0x88, s6;
	s7 =	simm.s32 @p2 $0x1082  }
0x22: {  	[simem:s7], [sflag:s8] =	dma.local @!p0 [hbm:s6], $0xF7A  }
0x23: {  	s9 =	sor.u32 $0xD0000000, s2;
	s6 =	simm.s32 $0x108;
	_ =	swait.ge @!p0 [sflag:s8], $0x0  }
0x24: {  	s3 =	sadd.s32 $0x88, s3;
	s6 =	simm.s32 @!p1 $0x1082;
	[sflag:s4] =	ssyncset.s32 $0xFFFFF086  }
0x25: {  	[simem:s6], [sflag:s4] =	dma.local [hbm:s3], $0xF7A  }
0x26: {  	[smem:$0x3F9D] =	sst s1;
	(tag) =	ssettag s2;
	_ =	strace s9  }
0x27: {  	s1 =	sld [smem:$0x3FAD]  }
0x28: {  	s2 =	sld [smem:$0x3FAE]  }
0x29: {  	s4 =	sld [smem:$0x3FB0]  }
0x2a: {  	p0 =	seq.s32 s5, $0x0;
	s5 =	sld [smem:$0x3FB1]  }
0x2b: {  	s6 =	sld [smem:$0x3FB2]  }
0x2c: {  	s7 =	sld [smem:$0x3FB3]  }
0x2d: {  	s3 =	simm.s32 $0x108;
	s8 =	sld [smem:$0x3FB4]  }
0x2e: {  	s3 =	simm.s32 @!p0 $0x1082;
	s9 =	sld [smem:$0x3FB5]  }
0x2f: {  	lr =	sadd.s32 s0, s3;
	s0 =	sld [smem:$0x3FAC]  }
0x30: {  	s3 =	sld [smem:$0x3FAF]  }
0x31: {  	[smem:$0x3FB8] =	sst s10  }
0x32: {  	s10 =	sld [smem:$0x3FB6];
	_ =	sdelay $0x3  }
0x33: {  	p0 =	seq.s32 s10, $0x1;
	s10 =	sld [smem:$0x3FB8];
	_ =	sdelay $0x3  }
0x34: {  	[smem:$0x3FB8] =	sst s10  }
0x35: {  	s10 =	sld [smem:$0x3FB7];
	_ =	sdelay $0x3  }
0x36: {  	p1 =	seq.s32 s10, $0x1;
	s10 =	sld [smem:$0x3FB8];
	_ =	sdelay $0x3  }
0x37: {  	[smem:$0x3FB8] =	sst s10  }
0x38: {  	s10 =	sld [smem:$0x3FB9]  }
0x39: {  	_ = 	snop;
	(pc) =	sbr.ind lr, $3  }
0x3a: {  	_ = 	snop  }
0x3b: {  	_ = 	snop  }
0x3c: {  	p2 =	seq.s32 s10, $0x1;
	s10 =	sld [smem:$0x3FB8]  }
0x3d: {  	_ =	shalt  }
0x3e: {  	_ =	shalt  }
0x3f: {  	_ =	shalt  }
0x40: {  	_ =	shalt  }
0x41: {  	_ =	shalt  }
0x42: {  	_ =	shalt  }
0x43: {  	_ =	shalt  }
0x44: {  	_ =	shalt  }
0x45: {  	_ =	shalt  }
0x46: {  	_ =	shalt  }
0x47: {  	_ =	shalt  }
0x48: {  	_ =	shalt  }
0x49: {  	_ =	shalt  }
0x4a: {  	_ =	shalt  }
0x4b: {  	_ =	shalt  }
0x4c: {  	_ =	shalt  }
0x4d: {  	_ =	shalt  }
0x4e: {  	_ =	shalt  }
0x4f: {  	_ =	shalt  }
0x50: {  	_ =	shalt  }
0x51: {  	_ =	shalt  }
0x52: {  	_ =	shalt  }
0x53: {  	_ =	shalt  }
0x54: {  	_ =	shalt  }
0x55: {  	_ =	shalt  }
0x56: {  	_ =	shalt  }
0x57: {  	_ =	shalt  }
0x58: {  	_ =	shalt  }
0x59: {  	_ =	shalt  }
0x5a: {  	_ =	shalt  }
0x5b: {  	_ =	shalt  }
0x5c: {  	_ =	shalt  }
0x5d: {  	_ =	shalt  }
0x5e: {  	_ =	shalt  }
0x5f: {  	_ =	shalt  }
0x60: {  	_ =	shalt  }
0x61: {  	_ =	shalt  }
0x62: {  	_ =	shalt  }
0x63: {  	_ =	shalt  }
0x64: {  	_ =	shalt  }
0x65: {  	_ =	shalt  }
0x66: {  	_ =	shalt  }
0x67: {  	_ =	shalt  }
0x68: {  	_ =	shalt  }
0x69: {  	_ =	shalt  }
0x6a: {  	_ =	shalt  }
0x6b: {  	_ =	shalt  }
0x6c: {  	_ =	shalt  }
0x6d: {  	_ =	shalt  }
0x6e: {  	_ =	shalt  }
0x6f: {  	_ =	shalt  }
0x70: {  	_ =	shalt  }
0x71: {  	_ =	shalt  }
0x72: {  	_ =	shalt  }
0x73: {  	_ =	shalt  }
0x74: {  	_ =	shalt  }
0x75: {  	_ =	shalt  }
0x76: {  	_ =	shalt  }
0x77: {  	_ =	shalt  }
0x78: {  	_ =	shalt  }
0x79: {  	_ =	shalt  }
0x7a: {  	_ =	shalt  }
0x7b: {  	_ =	shalt  }
0x7c: {  	_ =	shalt  }
0x7d: {  	_ =	shalt  }
0x7e: {  	_ =	shalt  }
0x7f: {  	_ =	shalt  }
0x80: {  	_ =	shalt  }
0x81: {  	_ =	shalt  }
0x82: {  	_ =	shalt  }
0x83: {  	_ =	shalt  }
0x84: {  	_ =	shalt  }
0x85: {  	_ =	shalt  }
0x86: {  	_ =	shalt  }
0x87: {  	_ =	shalt  }
.Lfunc_end0:
.L_simem_size_0:
called_computation.1_lowered:
.L_overlay_start_0:
0x88: {  	s2 =	sld [smem:$0x3FD9]  }
0x89: {  	s3 =	sld [smem:$0x3FFE];
	_ =	sdelay $0x1  }
0x8a: {  	s1 =	srdreg.scid  }
0x8b: {  	s0 =	sand.u32 $0x1, s1  }
0x8c: {  	s17 =	sshll.u32 s0, $0xA;
	s2 =	sadd.s32 s3, s2  }
0x8d: {  	s2 =	sadd.s32 s2, s17  }
0x8e: {  	[smem:$0x3FC4] =	sst s2  }
0x8f: {  	_ = 	snop  }
0x90: {  	s2 =	sld [smem:$0x3FD0];
	(tm) =	ssettm $0x1  }
0x91: {  	s18 =	sld [smem:$0x3FFB];
	_ =	sdelay $0x3  }
0x92: {  	_ =	strace s18  }
0x93: {  	s3 =	sld [smem:$0x3FFC];
	_ =	sdelay $0x3  }
0x94: {  	_ =	strace s3  }
0x95: {  	s3 =	sld [smem:$0x3FFD];
	_ =	sdelay $0x3  }
0x96: {  	_ =	strace s3  }
0x97: {  	_ =	strace $0x8FFFFFFF  }
0x98: {  	s19 =	sld [smem:$0x3FDB];
	_ =	sdelay $0x1  }
0x99: {  	s4 =	simm.s32 $_scs_section_size  }
0x9a: {  	s5 =	simm.s32 $_size__tile_overlayer_lowered;
	s6 =	simm.s32 $_tile_overlayer_lowered  }
0x9b: {  	s22 =	simm.s32 $0x1BFF;
	s21 =	sshll.u32 s6, $0x1;
	s3 =	sadd.s32 s4, s19  }
0x9c: {  	s7 =	simm.s32 $0x0;
	s20 =	sshll.u32 s5, $0x1;
	s5 =	sadd.s32 s21, s3  }
0x9d: {  	[timem:s7], [sflag:s22] =	dma.local [hbm:s5], s20  }
0x9e: {  	_ =	swait.ge [sflag:s22], s20  }
0x9f: {  	s4 =	ssub.s32 $0x0, s20;
	[sflag:s22] =	ssyncset.done $0x0  }
0xa0: {  	[sflag:s22] =	ssyncadd.s32 s4;
	_ =	sdelay $0x1  }
0xa1: {  	s23 =	simm.s32 $0x1B8B  }
0xa2: {  	_ =	swait.ge [sflag:s23], $0x1  }
0xa3: {  	[sflag:s23] =	ssyncset.done $0x0  }
0xa4: {  	s25 =	simm.s32 $0x1B8E;
	s24 =	sld [smem:$0x3FFE];
	[sflag:s23] =	ssyncadd.s32 $0xFFFFFFFF  }
0xa5: {  	s26 =	simm.s32 $execute0_lowered;
	[smem:$0x3FD2] =	sst s25  }
0xa6: {  	s5 =	sshll.u32 s26, $0x1;
	_ =	strace $0x80000046;
	[dreg:$0x1] =	wrdreg $0xFFFFFFFF  }
0xa7: {  	s28 =	simm.s32 $_size_execute0_lowered;
	s3 =	sadd.s32 s3, s5;
	[dreg:$0x0] =	wrdreg $0x0  }
0xa8: {  	s5 =	sshll.u32 s28, $0x1;
	[dreg:$0x2] =	wrdreg s3  }
0xa9: {  	[dreg:$0x3] =	wrdreg s5  }
0xaa: {  	[dreg:$0x4] =	wrdreg $0xC0  }
0xab: {  	_ =	task [dreg:s7], $0x5FFFF  }
0xac: {  	[dreg:$0x1] =	wrdreg $0xFFFFFFFF  }
0xad: {  	[dreg:$0x0] =	wrdreg $0x60  }
0xae: {  	[dreg:$0x2] =	wrdreg s24  }
0xaf: {  	[dreg:$0x3] =	wrdreg s2  }
0xb0: {  	[dreg:$0x4] =	wrdreg $0x9  }
0xb1: {  	_ =	task.clear_ibuf [dreg:s7], $0x5FFFF;
	_ =	strace $0x90000046  }
0xb2: {  	s29 =	simm.s32 $0x9;
	_ =	strace $0x80000048  }
0xb3: {  	_ =	swait.ge [sflag:s29], $0x1  }
0xb4: {  	[sflag:s29] =	ssyncadd.s32 $0xFFFFFFFF  }
0xb5: {  	_ =	strace $0x90000048  }
0xb6: {  	_ =	sfence  }
0xb7: {  	s30 =	sld [smem:$0x0];
	_ =	sdelay $0x2  }
0xb8: {  	s31 =	sshll.u32 s1, $0xD;
	s1 =	sshrl.u32 s1, $0x2  }
0xb9: {  	s3 =	sand.u32 $0x4000, s31;
	s1 =	sadd.s32 s1, s30  }
0xba: {  	s0 =	sor.u32 s3, s0;
	s1 =	sshll.u32 s1, $0x11  }
0xbb: {  	s0 =	sor.u32 s1, s0  }
0xbc: {  	s0 =	sadd.s32 $0x8F2B, s0  }
0xbd: {  	[sflag:s0] =	ssyncadd.remote.s32 $0x1  }
0xbe: {  	_ =	sfence.sel $0xFFFF  }
0xbf: {  	[dreg:$0x0] =	wrdreg $0xFFFFFFFF;
	(pc) =	sbr.abs _section_cstart, $3  }
0xc0: {  	[dreg:$0x1] =	wrdreg $0xFFFFFFFF  }
0xc1: {  	_ =	task.clear_ibuf [dreg:s7], $0x2FFFF;
	_ =	strace $0x9FFFFFFF  }
0xc2: {  	(tm) =	ssettm $0x7FFFFFFF  }
0xc3: {  	_ =	shalt  }
tec
execute0_lowered:
.L_overlay_start_1:
0x0: {  	(tag) =	ssettag $0x1  }
0x1: {  	s8 =	rddreg [dreg:$0x0];
	s0 =	stileid.u32  }
0x2: {  	s1 =	srdreg.scid;
	s2 =	rddreg [dreg:$0x1]  }
0x3: {  	s5 =	simm.s32 $0x1;
	s9 =	simm.s32 $0x1;
	s10 =	simm.s32 $0x3  }
0x4: {  	s13 =	simm.s32 $0x0;
	s3 =	sand.u32 $0x1, s1;
	s4 =	sshll.u32 s0, $0x1  }
0x5: {  	s12 =	simm.s32 $0x0;
	s1 =	rddreg [dreg:$0x2];
	s6 =	sor.u32 s4, s3  }
0x6: {  	_ =	strace $0x80000047;
	s3 =	sadd.s32 $0xC00, s8;
	s4 =	smul.u32 $0xA0, s6  }
0x7: {  	[sflag:s5] =	ssyncpa.u1 $0x0;
	p0 =	slt.u32 s6, $0x13;
	s6 =	simm.s32 $0x1400  }
.Ltmp0:
0x8: {  	s6 =	simm.s32 @!p0 $0x0;
	s7 =	ssub.s32 $0x1F40, s4;
	(pc) =	sbr.rel .LBB2_1-.Ltmp0, $4  }
0x9: {  	s9 =	simm.s32 @!p0 $0x0;
	p0 =	sne.s32 s7, s6;
	s7 =	simm.s32 $0x1  }
0xa: {  	s8 =	sadd.s32 $0x40C00, s8;
	s6 =	simm.s32 $0x2;
	s7 =	simm.s32 @!p0 $0x0  }
0xb: {  	s11 =	smov.u32 s4;
	[sflag:s6] =	ssyncpa.u1 $0x0;
	s7 =	sadd.s32 s9, s7  }
0xc: {  	vm0 =	vmmov $0xffff;
	[sflag:s10] =	ssyncpa.u1 $0x0;
	s10 =	simm.s32 $0x0;
	s9 =	sadd.s32 $0x1, s7  }
.LBB2_4:
0xd: {  	v5 =	vld.msk [tilespmem:s18+$0x0 ss:$0x1], $0xffff  }
0xe: {  	v6 =	vand.u32 $0x7, v1;
	v7 =	vshrl.u32 v1, $0x3  }
0xf: {  	v3 =	vor.u32 v4, v3;
	vm1 =	veq.s32 v1, $0x80000000;
	v53 =	vand.u32 $0x3FFFF, v7  }
0x10: {  	v2 =	vor.u32 v2, v3;
	v54 =	vsel vm1, $0xFFFFFFFF, v6;
	v1 =	vsel vm1, $0xFFFFFFFF, v53  }
0x11: {  	v6 =	vshll.u32 v54, $0x7;
	v3 =	vand.u32 $0xFFE00000, v54;
	v55 =	vand.u32 $0x7F, v1  }
0x12: {  	v1 =	vshll.u32 v1, $0x3;
	v6 =	vand.u32 $0x380, v6;
	v56 =	vshrl.u32 v5, $0x3  }
0x13: {  	v1 =	vand.u32 $0xFFFFFC00, v1;
	vm1 =	veq.s32 v5, $0x80000000;
	v57 =	vand.u32 $0x3FFFF, v56  }
0x14: {  	v1 =	vadd.s32 v3, v1;
	v5 =	vand.u32 $0x7, v5;
	v3 =	vsel vm1, $0xFFFFFFFF, v57  }
0x15: {  	v1 =	vor.u32 v6, v1;
	v5 =	vsel vm1, $0xFFFFFFFF, v5;
	v58 =	vshll.u32 v3, $0x3  }
0x16: {  	v59 =	vshll.u32 v5, $0x7;
	v5 =	vand.u32 $0xFFE00000, v5;
	v6 =	vand.u32 $0xFFFFFC00, v58  }
0x17: {  	v1 =	vor.u32 v55, v1;
	v61 =	vand.u32 $0x380, v59;
	v60 =	vadd.s32 v5, v6  }
0x18: {  	[tilespmem:s16], [sflag:$0x1] =	stream.indirect_vreg.gather [hbm4b:s3+s10], $0x1, v0, vm0, $0x4038;
	v62 =	vand.u32 $0x7F, v3;
	v63 =	vor.u32 v61, v60;
	[tilespmem:$0x280] =	vst v63  }
0x19: {  	(ifvalue) =	ssetifvalue $0x7FFFFFFF;
	v0 =	vor.u32 v62, v63  }
0x1a: {  	[tilespmem:s15], [sflag:$0x1] =	stream.indirect_vreg.gather [hbm4b:s3+s10], $0x1, v2, vm0, $0x4038;
	[tilespmem:$0x280] =	vst v63  }
0x1b: {  	s29 =	sadd.s32 $0x10, s15;
	(ifvalue) =	ssetifvalue $0x7FFFFFFF  }
0x1c: {  	[tilespmem:s29], [sflag:$0x1] =	stream.indirect_vreg.gather [hbm4b:s3+s10], $0x1, v1, vm0, $0x4038;
	[tilespmem:$0x280] =	vst v63  }
0x1d: {  	s15 =	sadd.s32 $0x10, s29;
	(ifvalue) =	ssetifvalue $0x7FFFFFFF  }
0x1e: {  	[tilespmem:s15], [sflag:$0x1] =	stream.indirect_vreg.gather [hbm4b:s3+s10], $0x1, v0, vm0, $0x4038;
	[tilespmem:$0x280] =	vst v63  }
0x1f: {  	_ =	swait.ge [sflag:s5], $0xA0  }
0x20: {  	s30 =	sshrl.u32 s13, $0x3;
	[sflag:s5] =	ssyncset.done $0x0  }
0x21: {  	s31 =	sand.u32 $0x7, s13;
	s15 =	sadd.s32 s8, s30;
	[sflag:s5] =	ssyncadd.s32 $0xFFFFFF60  }
0x22: {  	[hbm4b:s15+s31] =	stream.linear.scatter [tilespmem:s14], [sflag:$0x3], $0xA0, $0x38;
	[tilespmem:$0x280] =	vst v63  }
.LBB2_5:
0x23: {  	s15 =	sadd.s32 $0x1400, s11  }
0x24: {  	p1 =	sgt.s32 s15, $0x1F3F  }
0x25: {  	s15 =	smov.u32 @p1 s4;
	p1 =	sne.s32 s12, s9  }
.Ltmp1:
0x26: {  	p0 =	slt.u32 s12, $0x2;
	(pc) =	sbr.rel @!p1 .LBB2_6-.Ltmp1, $4  }
0x27: {  	s14 =	simm.s32 @!p0 $0x3  }
0x28: {  	_ =	swait.ge @!p0 [sflag:s14], $0xA0  }
0x29: {  	s16 =	sadd.s32 $0x1, s12;
	s13 =	smov.u32 s11;
	[sflag:s14] =	ssyncset.done @!p0 $0x0  }
0x2a: {  	s12 =	smov.u32 s16;
	s11 =	smov.u32 s15;
	[sflag:s14] =	ssyncadd.s32 @!p0 $0xFFFFFF60  }
.LBB2_1:
0x2b: {  	p0 =	sge.u32 s12, s7  }
0x2c: {  	s14 =	sxor.u32 @!p0 $0x1, s12  }
0x2d: {  	s14 =	smul.u32 @!p0 $0x280, s14  }
0x2e: {  	s31 =	sadd.s32 $0xFFFFFFFF, s12;
	s15 =	sshrl.u32 @!p0 s11, $0x3  }
0x2f: {  	s16 =	sand.u32 @!p0 $0x7, s11;
	s15 =	sadd.s32 @!p0 s2, s15;
	s14 =	sshra.s32 @!p0 s14, $0x2  }
0x30: {  	[tilespmem:s14], [sflag:$0x2] =	stream.linear.gather @!p0 [hbm4b:s15+s16], $0xA0, $0x38;
	[tilespmem:$0x280] =	vst v63  }
0x31: {  	p0 =	sge.u32 s31, s7  }
.Ltmp2:
0x32: {  	_ = 	snop;
	(pc) =	sbr.rel @p0 .LBB2_5-.Ltmp2, $1  }
0x33: {  	_ =	sdelay $0x3  }
0x34: {  	s14 =	sand.u32 $0x1, s12  }
0x35: {  	_ =	swait.ge [sflag:s6], $0xA0;
	p0 =	seq.s32 s14, $0x1;
	s14 =	simm.s32 $0xA0  }
0x36: {  	[sflag:s6] =	ssyncset.done $0x0;
	s14 =	simm.s32 @!p0 $0x0  }
0x37: {  	[sflag:s6] =	ssyncadd.s32 $0xFFFFFF60;
	(ifvalue) =	ssetifvalue $0x7FFFFFFF;
	v0 =	vld.msk [tilespmem:s14+$0x0 ss:$0x1], $0xffff;
	_ =	sdelay $0x4  }
0x38: {  	s15 =	sadd.s32 $0x10, s14;
	v2 =	vshrl.u32 v0, $0x3  }
0x39: {  	v1 =	vld.msk [tilespmem:s15+$0x0 ss:$0x1], $0xffff;
	vm1 =	veq.s32 v0, $0x80000000;
	v2 =	vand.u32 $0x3FFFF, v2  }
0x3a: {  	v0 =	vand.u32 $0x7, v0;
	v2 =	vsel vm1, $0xFFFFFFFF, v2  }
0x3b: {  	v0 =	vsel vm1, $0xFFFFFFFF, v0;
	v3 =	vshll.u32 v2, $0x3  }
0x3c: {  	v4 =	vand.u32 $0xFFE00000, v0;
	v0 =	vshll.u32 v0, $0x7;
	v3 =	vand.u32 $0xFFFFFC00, v3  }
0x3d: {  	v0 =	vand.u32 $0x380, v0;
	v3 =	vadd.s32 v4, v3  }
0x3e: {  	v2 =	vand.u32 $0x7F, v2;
	v4 =	vshrl.u32 v1, $0x3;
	v0 =	vor.u32 v0, v3  }
0x3f: {  	vm1 =	veq.s32 v1, $0x80000000;
	v4 =	vand.u32 $0x3FFFF, v4;
	v0 =	vor.u32 v2, v0  }
0x40: {  	s15 =	sadd.s32 $0x10, s15;
	v1 =	vand.u32 $0x7, v1;
	v3 =	vsel vm1, $0xFFFFFFFF, v4  }
0x41: {  	s14 =	sor.u32 $0x140, s14;
	v2 =	vsel vm1, $0xFFFFFFFF, v1;
	v1 =	vld.msk [tilespmem:s15+$0x0 ss:$0x1], $0xffff;
	v4 =	vshll.u32 v3, $0x3  }
0x42: {  	s17 =	simm.s32 $0x30;
	s16 =	smov.u32 s14;
	v5 =	vshll.u32 v2, $0x7;
	v6 =	vand.u32 $0xFFE00000, v2;
	v4 =	vand.u32 $0xFFFFFC00, v4  }
0x43: {  	s18 =	sadd.s32 $0x10, s15;
	(ifvalue) =	ssetifvalue $0x7FFFFFFF;
	s15 =	sadd.s32 $0x10, s14;
	v2 =	vand.u32 $0x7F, v3;
	v3 =	vadd.s32 v6, v4;
	v4 =	vand.u32 $0x380, v5  }
.LBB2_3:
0x44: {  	[tilespmem:s16], [sflag:$0x1] =	stream.indirect_vreg.gather [hbm4b:s3+s10], $0x1, v0, vm0, $0x4038;
	[tilespmem:$0x280] =	vst v63  }
0x45: {  	s17 =	sadd.s32 $0x10, s17  }
0x46: {  	v5 =	vand.u32 $0x7, v1;
	v6 =	vshrl.u32 v1, $0x3;
	v3 =	vor.u32 v4, v3;
	v0 =	vmovc v1;
	v1 =	vld.msk [tilespmem:s18+$0x0 ss:$0x1], $0xffff;
	p0 =	slt.u32 s17, $0x90  }
.Ltmp3:
0x47: {  	s16 =	smov.u32 s15;
	vm1 =	veq.s32 v0, $0x80000000;
	v4 =	vand.u32 $0x3FFFF, v6;
	v0 =	vor.u32 v2, v3;
	(pc) =	sbr.rel @p0 .LBB2_3-.Ltmp3, $4  }
0x48: {  	v3 =	vsel vm1, $0xFFFFFFFF, v5;
	v4 =	vsel vm1, $0xFFFFFFFF, v4  }
0x49: {  	v2 =	vand.u32 $0x7F, v4;
	v4 =	vshll.u32 v4, $0x3;
	v5 =	vshll.u32 v3, $0x7  }
0x4a: {  	v3 =	vand.u32 $0xFFE00000, v3;
	v4 =	vand.u32 $0xFFFFFC00, v4  }
0x4b: {  	s18 =	sadd.s32 $0x10, s18;
	s15 =	sadd.s32 $0x10, s15;
	v3 =	vadd.s32 v3, v4;
	v4 =	vand.u32 $0x380, v5;
	(ifvalue) =	ssetifvalue $0x7FFFFFFF  }
.Ltmp4:
0x4c: {  	_ = 	snop;
	(pc) =	sbr.rel .LBB2_4-.Ltmp4, $1  }
0x4d: {  	_ =	sdelay $0x3  }
.LBB2_6:
0x4e: {  	_ =	sfence.sel $0x180000  }
0x4f: {  	s2 =	simm.s32 $0x2;
	[bflag:$0x0] =	sbarrier.arrive $0xFFFF  }
0x50: {  	s30 =	simm.s32 $0x3;
	[sflag:s2] =	ssyncpa.u1 $0x1  }
0x51: {  	s31 =	simm.s32 $0x1;
	[sflag:s30] =	ssyncpa.u1 $0x1  }
0x52: {  	[sflag:s31] =	ssyncpa.u1 $0x1  }
0x53: {  	p0 =	sne.s32 s0, $0x0;
	_ =	strace $0x90000047  }
0x54: {  	s0 =	sadd.s32 @!p0 $0x100000, s1;
	[bflag:$0x2] =	sbarrier.arrive $0xFFFF  }
0x55: {  	[sflag:s0] =	ssyncadd.tile.s32 @!p0 $0x1;
	_ =	shalt  }
.Lfunc_end2:
_tile_overlayer_lowered:
.L_overlay_start_2:
0x56: {  	(tag) =	ssettag $0x2  }
0x57: {  	s0 =	rddreg [dreg:$0x0];
	s2 =	stileid.u32  }
0x58: {  	s1 =	rddreg [dreg:$0x1];
	p0 =	sne.s32 s2, $0x0  }
0x59: {  	s3 =	rddreg [dreg:$0x2];
	[bflag:$0x3] =	sbarrier.arrive $0xFFFF;
	s2 =	simm.s32 @!p0 $0x1C01  }
0x5a: {  	[timem:s3], [sflag:s2] =	dma.local @!p0 [hbm:s0], s1  }
0x5b: {  	s0 =	simm.s32 @!p0 $0x1  }
0x5c: {  	_ =	swait.ge @!p0 [sflag:s0], s1  }
0x5d: {  	s1 =	ssub.s32 @!p0 $0x0, s1;
	[sflag:s0] =	ssyncset.done @!p0 $0x0  }
0x5e: {  	[sflag:s0] =	ssyncadd.s32 @!p0 s1  }
0x5f: {  	[bflag:$0x3] =	sbarrier.arrive $0xFFFF  }
0x60: {  	_ =	shalt  }

// kernel: gather_offload_async_start.2
scs
__scs_entry_jumppad:
0x0: {  	(pc) =	sbr.rel $0x88, $3  }
0x1: {  	(tag) =	ssettag $0x0;
	lr =	simm.s32 $0x1  }
0x2: {  	[smem:$0x3F9D] =	sst lr;
	_ =	strace $0xD0000000  }
0x3: {  	_ = 	snop  }
0x4: {  	_ = 	snop  }
0x5: {  	_ = 	snop  }
0x6: {  	_ = 	snop  }
0x7: {  	_ = 	snop  }
__scs_overlays_trampoline_lowered:
0x8: {  	[smem:$0x3FAC] =	sst s0  }
0x9: {  	[smem:$0x3FAD] =	sst s1  }
0xa: {  	[smem:$0x3FAE] =	sst s2  }
0xb: {  	[smem:$0x3FAF] =	sst s3  }
0xc: {  	[smem:$0x3FB0] =	sst s4  }
0xd: {  	[smem:$0x3FB1] =	sst s5  }
0xe: {  	[smem:$0x3FB2] =	sst s6  }
0xf: {  	[smem:$0x3FB3] =	sst s7  }
0x10: {  	[smem:$0x3FB4] =	sst s8  }
0x11: {  	[smem:$0x3FB5] =	sst s9;
	s0 =	simm.s32 @!p0 $0x0  }
0x12: {  	s1 =	sld [smem:$0x3F9B];
	s0 =	simm.s32 @p0 $0x1  }
0x13: {  	[smem:$0x3FB6] =	sst s0;
	s0 =	simm.s32 @!p1 $0x0  }
0x14: {  	s2 =	sld [smem:$0x3F9A];
	s0 =	simm.s32 @p1 $0x1  }
0x15: {  	[smem:$0x3FB7] =	sst s0;
	s0 =	simm.s32 @!p2 $0x0  }
0x16: {  	s3 =	sld [smem:$0x3FDB];
	s0 =	simm.s32 @p2 $0x1  }
0x17: {  	s4 =	simm.s32 $0x1BF5;
	[smem:$0x3FB9] =	sst s0  }
0x18: {  	s0 =	sld [smem:$0x3F9C];
	_ =	swait.ge [sflag:s4], $0x0  }
0x19: {  	s7 =	sld [smem:$0x3F9D]  }
0x1a: {  	s8 =	sadd.s32 $0xFFFFE003, lr  }
0x1b: {  	s9 =	sadd.s32 $0xFFFFFEF7, lr;
	s5 =	simm.s32 $0xFFFFFFFF;
	p2 =	slt.u32 s8, $0xFFFFF086  }
0x1c: {  	p1 =	slt.u32 s9, $0xF7A;
	s5 =	simm.s32 @!p2 $0x0  }
0x1d: {  	s5 =	simm.s32 @p1 $0x1;
	p0 =	seq.s32 s7, s2  }
0x1e: {  	s7 =	smul.u32 @!p0 $0xF7A, s2;
	p2 =	seq.s32 @!p0 s5, $0x0  }
0x1f: {  	s9 =	smul.u32 $0xF7A, s1;
	s8 =	simm.s32 @!p0 $0x1BF5;
	p2 =	por !p2, p0  }
0x20: {  	[sflag:s8] =	ssyncset.s32 @!p0 $0xFFFFF086;
	s6 =	sadd.s32 @!p0 s3, s7;
	s7 =	simm.s32 @!p0 $0x108  }
0x21: {  	s3 =	sadd.s32 s3, s9;
	s6 =	sadd.s32 @!p0 $0x88, s6;
	s7 =	simm.s32 @p2 $0x1082  }
0x22: {  	[simem:s7], [sflag:s8] =	dma.local @!p0 [hbm:s6], $0xF7A  }
0x23: {  	s9 =	sor.u32 $0xD0000000, s2;
	s6 =	simm.s32 $0x108;
	_ =	swait.ge @!p0 [sflag:s8], $0x0  }
0x24: {  	s3 =	sadd.s32 $0x88, s3;
	s6 =	simm.s32 @!p1 $0x1082;
	[sflag:s4] =	ssyncset.s32 $0xFFFFF086  }
0x25: {  	[simem:s6], [sflag:s4] =	dma.local [hbm:s3], $0xF7A  }
0x26: {  	[smem:$0x3F9D] =	sst s1;
	(tag) =	ssettag s2;
	_ =	strace s9  }
0x27: {  	s1 =	sld [smem:$0x3FAD]  }
0x28: {  	s2 =	sld [smem:$0x3FAE]  }
0x29: {  	s4 =	sld [smem:$0x3FB0]  }
0x2a: {  	p0 =	seq.s32 s5, $0x0;
	s5 =	sld [smem:$0x3FB1]  }
0x2b: {  	s6 =	sld [smem:$0x3FB2]  }
0x2c: {  	s7 =	sld [smem:$0x3FB3]  }
0x2d: {  	s3 =	simm.s32 $0x108;
	s8 =	sld [smem:$0x3FB4]  }
0x2e: {  	s3 =	simm.s32 @!p0 $0x1082;
	s9 =	sld [smem:$0x3FB5]  }
0x2f: {  	lr =	sadd.s32 s0, s3;
	s0 =	sld [smem:$0x3FAC]  }
0x30: {  	s3 =	sld [smem:$0x3FAF]  }
0x31: {  	[smem:$0x3FB8] =	sst s10  }
0x32: {  	s10 =	sld [smem:$0x3FB6];
	_ =	sdelay $0x3  }
0x33: {  	p0 =	seq.s32 s10, $0x1;
	s10 =	sld [smem:$0x3FB8];
	_ =	sdelay $0x3  }
0x34: {  	[smem:$0x3FB8] =	sst s10  }
0x35: {  	s10 =	sld [smem:$0x3FB7];
	_ =	sdelay $0x3  }
0x36: {  	p1 =	seq.s32 s10, $0x1;
	s10 =	sld [smem:$0x3FB8];
	_ =	sdelay $0x3  }
0x37: {  	[smem:$0x3FB8] =	sst s10  }
0x38: {  	s10 =	sld [smem:$0x3FB9]  }
0x39: {  	_ = 	snop;
	(pc) =	sbr.ind lr, $3  }
0x3a: {  	_ = 	snop  }
0x3b: {  	_ = 	snop  }
0x3c: {  	p2 =	seq.s32 s10, $0x1;
	s10 =	sld [smem:$0x3FB8]  }
0x3d: {  	_ =	shalt  }
0x3e: {  	_ =	shalt  }
0x3f: {  	_ =	shalt  }
0x40: {  	_ =	shalt  }
0x41: {  	_ =	shalt  }
0x42: {  	_ =	shalt  }
0x43: {  	_ =	shalt  }
0x44: {  	_ =	shalt  }
0x45: {  	_ =	shalt  }
0x46: {  	_ =	shalt  }
0x47: {  	_ =	shalt  }
0x48: {  	_ =	shalt  }
0x49: {  	_ =	shalt  }
0x4a: {  	_ =	shalt  }
0x4b: {  	_ =	shalt  }
0x4c: {  	_ =	shalt  }
0x4d: {  	_ =	shalt  }
0x4e: {  	_ =	shalt  }
0x4f: {  	_ =	shalt  }
0x50: {  	_ =	shalt  }
0x51: {  	_ =	shalt  }
0x52: {  	_ =	shalt  }
0x53: {  	_ =	shalt  }
0x54: {  	_ =	shalt  }
0x55: {  	_ =	shalt  }
0x56: {  	_ =	shalt  }
0x57: {  	_ =	shalt  }
0x58: {  	_ =	shalt  }
0x59: {  	_ =	shalt  }
0x5a: {  	_ =	shalt  }
0x5b: {  	_ =	shalt  }
0x5c: {  	_ =	shalt  }
0x5d: {  	_ =	shalt  }
0x5e: {  	_ =	shalt  }
0x5f: {  	_ =	shalt  }
0x60: {  	_ =	shalt  }
0x61: {  	_ =	shalt  }
0x62: {  	_ =	shalt  }
0x63: {  	_ =	shalt  }
0x64: {  	_ =	shalt  }
0x65: {  	_ =	shalt  }
0x66: {  	_ =	shalt  }
0x67: {  	_ =	shalt  }
0x68: {  	_ =	shalt  }
0x69: {  	_ =	shalt  }
0x6a: {  	_ =	shalt  }
0x6b: {  	_ =	shalt  }
0x6c: {  	_ =	shalt  }
0x6d: {  	_ =	shalt  }
0x6e: {  	_ =	shalt  }
0x6f: {  	_ =	shalt  }
0x70: {  	_ =	shalt  }
0x71: {  	_ =	shalt  }
0x72: {  	_ =	shalt  }
0x73: {  	_ =	shalt  }
0x74: {  	_ =	shalt  }
0x75: {  	_ =	shalt  }
0x76: {  	_ =	shalt  }
0x77: {  	_ =	shalt  }
0x78: {  	_ =	shalt  }
0x79: {  	_ =	shalt  }
0x7a: {  	_ =	shalt  }
0x7b: {  	_ =	shalt  }
0x7c: {  	_ =	shalt  }
0x7d: {  	_ =	shalt  }
0x7e: {  	_ =	shalt  }
0x7f: {  	_ =	shalt  }
0x80: {  	_ =	shalt  }
0x81: {  	_ =	shalt  }
0x82: {  	_ =	shalt  }
0x83: {  	_ =	shalt  }
0x84: {  	_ =	shalt  }
0x85: {  	_ =	shalt  }
0x86: {  	_ =	shalt  }
0x87: {  	_ =	shalt  }
.Lfunc_end0:
.L_simem_size_0:
called_computation.2_lowered:
.L_overlay_start_0:
0x88: {  	s2 =	sld [smem:$0x3FD9]  }
0x89: {  	s3 =	sld [smem:$0x3FFE];
	_ =	sdelay $0x1  }
0x8a: {  	s1 =	srdreg.scid  }
0x8b: {  	s0 =	sand.u32 $0x1, s1  }
0x8c: {  	s17 =	sshll.u32 s0, $0xA;
	s2 =	sadd.s32 s3, s2  }
0x8d: {  	s2 =	sadd.s32 s2, s17  }
0x8e: {  	[smem:$0x3FC4] =	sst s2  }
0x8f: {  	_ = 	snop  }
0x90: {  	(tm) =	ssettm $0x1  }
0x91: {  	s18 =	sld [smem:$0x3FFB];
	_ =	sdelay $0x3  }
0x92: {  	_ =	strace s18  }
0x93: {  	s2 =	sld [smem:$0x3FFC];
	_ =	sdelay $0x3  }
0x94: {  	_ =	strace s2  }
0x95: {  	s2 =	sld [smem:$0x3FFD];
	_ =	sdelay $0x3  }
0x96: {  	_ =	strace s2  }
0x97: {  	_ =	strace $0x8FFFFFFF  }
0x98: {  	s19 =	sld [smem:$0x3FDB];
	_ =	sdelay $0x1  }
0x99: {  	s20 =	simm.s32 $_scs_section_size  }
0x9a: {  	s4 =	simm.s32 $_size__tile_overlayer_lowered;
	s5 =	simm.s32 $_tile_overlayer_lowered  }
0x9b: {  	s6 =	simm.s32 $0x1BFF;
	s21 =	sshll.u32 s5, $0x1;
	s3 =	sadd.s32 s20, s19  }
0x9c: {  	s22 =	simm.s32 $0x0;
	s4 =	sshll.u32 s4, $0x1;
	s5 =	sadd.s32 s21, s3  }
0x9d: {  	[timem:s22], [sflag:s6] =	dma.local [hbm:s5], s4  }
0x9e: {  	_ =	swait.ge [sflag:s6], s4  }
0x9f: {  	s4 =	ssub.s32 $0x0, s4;
	[sflag:s6] =	ssyncset.done $0x0  }
0xa0: {  	[sflag:s6] =	ssyncadd.s32 s4;
	_ =	sdelay $0x1  }
0xa1: {  	s23 =	simm.s32 $0x1B8B  }
0xa2: {  	_ =	swait.ge [sflag:s23], $0x1  }
0xa3: {  	[sflag:s23] =	ssyncset.done $0x0  }
0xa4: {  	[sflag:s23] =	ssyncadd.s32 $0xFFFFFFFF  }
0xa5: {  	s4 =	sld [smem:$0x0]  }
0xa6: {  	s5 =	sand.u32 $0xFFFFFFFE, s1  }
0xa7: {  	p0 =	sne.s32 s1, s5  }
0xa8: {  	s5 =	sshll.u32 @p0 s5, $0xE  }
0xa9: {  	s5 =	sadd.s32 @p0 $0x11B8D, s5;
	s6 =	sshll.u32 @p0 s4, $0x11  }
0xaa: {  	s5 =	sor.u32 @p0 s6, s5  }
0xab: {  	[sflag:s5] =	ssyncadd.remote.s32 @p0 $0x1;
	_ =	sdelay $0x1  }
0xac: {  	s5 =	simm.s32 @p0 $0x1B8D  }
0xad: {  	_ =	swait.eq @p0 [sflag:s5], $0x1  }
0xae: {  	[sflag:s5] =	ssyncadd.s32 @p0 $0xFFFFFFFF  }
0xaf: {  	s6 =	sshll.u32 @!p0 s1, $0xE  }
0xb0: {  	s6 =	sor.u32 @!p0 $0x4000, s6;
	s5 =	simm.s32 @!p0 $0x1B8D  }
0xb1: {  	s4 =	sshll.u32 @!p0 s4, $0x11;
	s6 =	sadd.s32 @!p0 $0x11B8D, s6;
	_ =	swait.eq @!p0 [sflag:s5], $0x1  }
0xb2: {  	s4 =	sor.u32 @!p0 s4, s6;
	[sflag:s5] =	ssyncadd.s32 @!p0 $0xFFFFFFFF  }
0xb3: {  	s25 =	simm.s32 $0x1B8E;
	s24 =	sld [smem:$0x3FFE];
	[sflag:s4] =	ssyncadd.remote.s32 @!p0 $0x1  }
0xb4: {  	s26 =	simm.s32 $execute0_lowered;
	[smem:$0x3FD2] =	sst s25  }
0xb5: {  	s5 =	sshll.u32 s26, $0x1;
	_ =	strace $0x8000004F;
	[dreg:$0x1] =	wrdreg $0xFFFFFFFF  }
0xb6: {  	s28 =	simm.s32 $_size_execute0_lowered;
	s3 =	sadd.s32 s3, s5;
	[dreg:$0x0] =	wrdreg $0x0  }
0xb7: {  	s5 =	sshll.u32 s28, $0x1;
	[dreg:$0x2] =	wrdreg s3  }
0xb8: {  	[dreg:$0x3] =	wrdreg s5  }
0xb9: {  	[dreg:$0x4] =	wrdreg $0xC0  }
0xba: {  	_ =	task [dreg:s22], $0x5FFFF  }
0xbb: {  	[dreg:$0x1] =	wrdreg $0xFFFFFFFF  }
0xbc: {  	[dreg:$0x0] =	wrdreg $0x60  }
0xbd: {  	[dreg:$0x2] =	wrdreg s24  }
0xbe: {  	[dreg:$0x3] =	wrdreg $0x9  }
0xbf: {  	_ =	task.clear_ibuf [dreg:s22], $0x4FFFF;
	_ =	strace $0x9000004F  }
0xc0: {  	s29 =	simm.s32 $0x9;
	_ =	strace $0x80000051  }
0xc1: {  	_ =	swait.ge [sflag:s29], $0x1  }
0xc2: {  	[sflag:s29] =	ssyncadd.s32 $0xFFFFFFFF  }
0xc3: {  	_ =	strace $0x90000051  }
0xc4: {  	_ =	sfence  }
0xc5: {  	s30 =	sld [smem:$0x0];
	_ =	sdelay $0x2  }
0xc6: {  	s31 =	sshll.u32 s1, $0xD;
	s1 =	sshrl.u32 s1, $0x2  }
0xc7: {  	s4 =	sand.u32 $0x4000, s31;
	s1 =	sadd.s32 s1, s30  }
0xc8: {  	s0 =	sor.u32 s4, s0;
	s1 =	sshll.u32 s1, $0x11  }
0xc9: {  	s0 =	sor.u32 s1, s0  }
0xca: {  	s0 =	sadd.s32 $0x8F2B, s0  }
0xcb: {  	[sflag:s0] =	ssyncadd.remote.s32 $0x1  }
0xcc: {  	_ =	sfence.sel $0xFFFF  }
0xcd: {  	[dreg:$0x0] =	wrdreg $0xFFFFFFFF;
	(pc) =	sbr.abs _section_cstart, $3  }
0xce: {  	[dreg:$0x1] =	wrdreg $0xFFFFFFFF  }
0xcf: {  	_ =	task.clear_ibuf [dreg:s22], $0x2FFFF;
	_ =	strace $0x9FFFFFFF  }
0xd0: {  	(tm) =	ssettm $0x7FFFFFFF  }
0xd1: {  	_ =	shalt  }
tec
execute0_lowered:
.L_overlay_start_1:
0x0: {  	(tag) =	ssettag $0x1  }
0x1: {  	s0 =	srdreg.scid  }
0x2: {  	s1 =	sshll.u32 s0, $0x4  }
0x3: {  	s0 =	stileid.u32;
	s1 =	sand.u32 $0x10, s1  }
0x4: {  	s1 =	sor.u32 s0, s1  }
0x5: {  	s2 =	smin.u32 s1, $0x12  }
0x6: {  	s2 =	sadd.s32 s1, s2  }
0x7: {  	p0 =	slt.u32 s1, $0x12;
	s1 =	simm.s32 $0x140;
	s2 =	smul.u32 $0xA0, s2  }
0x8: {  	s1 =	simm.s32 @!p0 $0xA0  }
0x9: {  	s1 =	sadd.s32 s1, s2  }
0xa: {  	s3 =	smin.u32 s1, $0x1F40  }
0xb: {  	s7 =	ssub.s32 s3, s2  }
0xc: {  	p0 =	sgt.s32 s7, $0x0  }
0xd: {  	s7 =	simm.s32 @!p0 $0x0  }
0xe: {  	s31 =	smul.u32 $0xCCCD, s7  }
0xf: {  	s9 =	rddreg [dreg:$0x0];
	s6 =	simm.s32 $0x1;
	s11 =	simm.s32 $0x3  }
0x10: {  	s13 =	simm.s32 $0x0;
	s12 =	simm.s32 $0x0;
	s8 =	sshrl.u32 s31, $0x17  }
0x11: {  	s4 =	sadd.s32 $0x1800, s9;
	s5 =	sadd.s32 $0xC00, s9;
	s10 =	smul.u32 $0xA0, s8  }
.Ltmp0:
0x12: {  	s9 =	sadd.s32 $0x20C00, s9;
	s1 =	rddreg [dreg:$0x1];
	(pc) =	sbr.rel .LBB2_1-.Ltmp0, $4  }
0x13: {  	_ =	strace $0x80000050;
	p0 =	sne.s32 s7, s10;
	s10 =	simm.s32 $0x1  }
0x14: {  	[sflag:s6] =	ssyncpa.u1 $0x0;
	s7 =	simm.s32 $0x2;
	s10 =	simm.s32 @!p0 $0x0  }
0x15: {  	[sflag:s7] =	ssyncpa.u1 $0x0;
	p0 =	por $0x0, $0x0;
	s8 =	sadd.s32 s8, s10  }
0x16: {  	vm0 =	vmmov $0xff;
	vm1 =	vcmask $0x3F20;
	[sflag:s11] =	ssyncpa.u1 $0x0;
	s11 =	smov.u32 s2;
	s10 =	sadd.s32 $0x1, s8  }
.LBB2_6:
0x17: {  	[hbm:s17] =	stream.linear.scatter [tilespmem:s14], [sflag:$0x3], $0x400, $0x38;
	[tilespmem:$0xA140] =	vst v63  }
.LBB2_7:
0x18: {  	s13 =	sadd.s32 $0xA0, s11  }
0x19: {  	s15 =	smov.u32 s2;
	p2 =	slt.s32 s13, s3  }
0x1a: {  	s15 =	smov.u32 @p2 s13;
	p2 =	sne.s32 s12, s10  }
.Ltmp1:
0x1b: {  	p1 =	slt.u32 s12, $0x2;
	(pc) =	sbr.rel @!p2 .LBB2_8-.Ltmp1, $4  }
0x1c: {  	s14 =	simm.s32 @!p1 $0x3  }
0x1d: {  	s16 =	sadd.s32 $0x1, s12;
	_ =	swait.ge @!p1 [sflag:s14], $0x5000  }
0x1e: {  	p0 =	por !p0, !p0;
	s13 =	smov.u32 s11;
	[sflag:s14] =	ssyncset.done @!p1 $0x0  }
0x1f: {  	s12 =	smov.u32 s16;
	s11 =	smov.u32 s15;
	[sflag:s14] =	ssyncadd.s32 @!p1 $0xFFFFB000  }
.LBB2_1:
0x20: {  	p1 =	sge.u32 s12, s8  }
0x21: {  	s14 =	sxor.u32 @!p1 $0xFFFFFFFF, s12  }
0x22: {  	s14 =	sand.u32 @!p1 $0x1, s14  }
0x23: {  	s14 =	smul.u32 @!p1 $0x280, s14  }
0x24: {  	s31 =	sadd.s32 $0xFFFFFFFF, s12;
	s15 =	sshrl.u32 @!p1 s11, $0x3  }
0x25: {  	s16 =	sand.u32 @!p1 $0x7, s11;
	s15 =	sadd.s32 @!p1 s5, s15;
	s14 =	sshrl.u32 @!p1 s14, $0x2  }
0x26: {  	[tilespmem:s14], [sflag:$0x2] =	stream.linear.gather @!p1 [hbm4b:s15+s16], $0xA0, $0x38;
	[tilespmem:$0xA140] =	vst v63  }
0x27: {  	p1 =	sge.u32 s31, s8  }
.Ltmp2:
0x28: {  	_ = 	snop;
	(pc) =	sbr.rel @p1 .LBB2_7-.Ltmp2, $1  }
0x29: {  	_ =	sdelay $0x3  }
0x2a: {  	s14 =	simm.s32 $0x1  }
0x2b: {  	s14 =	simm.s32 @!p0 $0x0  }
0x2c: {  	s15 =	smul.u32 $0x280, s14  }
0x2d: {  	_ =	swait.ge [sflag:s7], $0xA0  }
0x2e: {  	[sflag:s7] =	ssyncset.done $0x0;
	s16 =	sshrl.u32 s15, $0x2  }
0x2f: {  	[sflag:s7] =	ssyncadd.s32 $0xFFFFFF60;
	s15 =	sadd.s32 $0x0, s16  }
0x30: {  	v0 =	vld.msk [tilespmem:s15+$0x0 ss:$0x1], $0xffff;
	_ =	sdelay $0x4  }
0x31: {  	v1 =	vand.u32 $0x7, v0;
	v2 =	vshll.u32 v0, $0x4  }
0x32: {  	vm2 =	veq.s32 v0, $0x80000000;
	v0 =	vmul.u32 $0x1F400, v1;
	v1 =	vand.u32 $0x1FF80, v2  }
0x33: {  	v1 =	vsel vm2, $0xFFFFFF80, v1  }
0x34: {  	v0 =	vsel vm2, $0xFFFE0C00, v0;
	v2 =	vand.u32 $0xFFFFFC00, v1  }
0x35: {  	v1 =	vand.u32 $0x380, v1;
	v0 =	vadd.s32 v0, v2  }
0x36: {  	v0 =	vor.u32 v1, v0  }
0x37: {  	v0 =	vshrl.u32 v0, $0x3  }
0x38: {  	s14 =	smul.u32 $0x14000, s14;
	_ =	sdelay $0x1  }
0x39: {  	s14 =	sshrl.u32 s14, $0x2  }
0x3a: {  	s14 =	sor.u32 $0x140, s14  }
0x3b: {  	[tilespmem:s14], [sflag:$0x1] =	stream.indirect_vreg.gather [hbm:s4], $0x80, v0, vm0, $0x38;
	[tilespmem:$0xA140] =	vst v63  }
0x3c: {  	s17 =	sadd.s32 $0x10, s16;
	s15 =	sadd.s32 $0x400, s14  }
0x3d: {  	[tilespmem:s15], [sflag:$0x1] =	stream.indirect_vreg.gather [hbm:s4], $0x80, v0, vm1, $0x38;
	[tilespmem:$0xA140] =	vst v63  }
0x3e: {  	s18 =	simm.s32 $0x80;
	v0 =	vld.msk [tilespmem:s17+$0x0 ss:$0x1], $0xffff;
	s17 =	smov.u32 s14  }
.LBB2_3:
0x3f: {  	p1 =	sne.s32 s18, $0x240;
	_ =	sdelay $0x4  }
0x40: {  	v1 =	vand.u32 $0x7, v0;
	v2 =	vshll.u32 v0, $0x4  }
0x41: {  	vm2 =	veq.s32 v0, $0x80000000;
	v0 =	vmul.u32 $0x1F400, v1;
	v1 =	vand.u32 $0x1FF80, v2  }
0x42: {  	v1 =	vsel vm2, $0xFFFFFF80, v1  }
0x43: {  	v0 =	vsel vm2, $0xFFFE0C00, v0;
	v2 =	vand.u32 $0xFFFFFC00, v1  }
0x44: {  	v1 =	vand.u32 $0x380, v1;
	v0 =	vadd.s32 v0, v2  }
0x45: {  	v0 =	vor.u32 v1, v0  }
0x46: {  	v0 =	vshrl.u32 v0, $0x3;
	_ =	sdelay $0x3  }
.Ltmp3:
0x47: {  	s19 =	sshra.s32 s18, $0x2;
	s17 =	sadd.s32 $0x800, s17;
	(pc) =	sbr.rel @p1 .LBB2_3-.Ltmp3, $4  }
0x48: {  	[tilespmem:s17], [sflag:$0x1] =	stream.indirect_vreg.gather [hbm:s4], $0x80, v0, vm0, $0x38;
	[tilespmem:$0xA140] =	vst v63  }
0x49: {  	s19 =	sadd.s32 s19, s16;
	s20 =	sadd.s32 $0x400, s17  }
0x4a: {  	[tilespmem:s20], [sflag:$0x1] =	stream.indirect_vreg.gather [hbm:s4], $0x80, v0, vm1, $0x38;
	[tilespmem:$0xA140] =	vst v63  }
0x4b: {  	s18 =	sadd.s32 $0x40, s18;
	v0 =	vld.msk [tilespmem:s19+$0x0 ss:$0x1], $0xffff  }
0x4c: {  	_ =	sdelay $0x3  }
0x4d: {  	v1 =	vand.u32 $0x7, v0;
	v2 =	vshll.u32 v0, $0x4  }
0x4e: {  	vm2 =	veq.s32 v0, $0x80000000;
	v61 =	vmul.u32 $0x1F400, v1;
	v62 =	vand.u32 $0x1FF80, v2  }
0x4f: {  	v1 =	vsel vm2, $0xFFFFFF80, v62  }
0x50: {  	v0 =	vsel vm2, $0xFFFE0C00, v61;
	v63 =	vand.u32 $0xFFFFFC00, v1  }
0x51: {  	v1 =	vand.u32 $0x380, v1;
	v0 =	vadd.s32 v0, v63  }
0x52: {  	v0 =	vor.u32 v1, v0  }
0x53: {  	v0 =	vshrl.u32 v0, $0x3;
	_ =	sdelay $0x3  }
0x54: {  	s16 =	sadd.s32 $0x800, s17  }
0x55: {  	[tilespmem:s16], [sflag:$0x1] =	stream.indirect_vreg.gather [hbm:s4], $0x80, v0, vm0, $0x38;
	[tilespmem:$0xA140] =	vst v63  }
0x56: {  	s16 =	sadd.s32 $0x400, s16  }
0x57: {  	[tilespmem:s16], [sflag:$0x1] =	stream.indirect_vreg.gather [hbm:s4], $0x80, v0, vm1, $0x38;
	[tilespmem:$0xA140] =	vst v63  }
0x58: {  	s13 =	sshll.u32 s13, $0x4;
	_ =	swait.ge [sflag:s6], $0x5000  }
0x59: {  	s13 =	sadd.s32 s13, s9;
	[sflag:s6] =	ssyncset.done $0x0  }
0x5a: {  	s17 =	sadd.s32 $0x0, s13;
	s16 =	simm.s32 $0x80;
	[sflag:s6] =	ssyncadd.s32 $0xFFFFB000  }
.LBB2_5:
0x5b: {  	[hbm:s17] =	stream.linear.scatter [tilespmem:s14], [sflag:$0x3], $0x400, $0x38;
	[tilespmem:$0xA140] =	vst v63  }
0x5c: {  	s17 =	smov.u32 s16;
	s14 =	smov.u32 s15;
	p1 =	sne.s32 s16, $0x980  }
.Ltmp4:
0x5d: {  	s16 =	sadd.s32 $0x80, s16;
	(pc) =	sbr.rel @p1 .LBB2_5-.Ltmp4, $2  }
0x5e: {  	_ =	sdelay $0x2  }
0x5f: {  	s15 =	sadd.s32 $0x400, s15;
	s17 =	sadd.s32 s17, s13  }
.Ltmp5:
0x60: {  	_ = 	snop;
	(pc) =	sbr.rel .LBB2_6-.Ltmp5, $1  }
0x61: {  	_ =	sdelay $0x3  }
.LBB2_8:
0x62: {  	_ =	sfence.sel $0x180000  }
0x63: {  	s2 =	simm.s32 $0x2;
	[bflag:$0x0] =	sbarrier.arrive $0xFFFF  }
0x64: {  	s30 =	simm.s32 $0x3;
	[sflag:s2] =	ssyncpa.u1 $0x1  }
0x65: {  	s31 =	simm.s32 $0x1;
	[sflag:s30] =	ssyncpa.u1 $0x1  }
0x66: {  	[sflag:s31] =	ssyncpa.u1 $0x1  }
0x67: {  	p0 =	sne.s32 s0, $0x0;
	_ =	strace $0x90000050  }
0x68: {  	s0 =	sadd.s32 @!p0 $0x100000, s1;
	[bflag:$0x2] =	sbarrier.arrive $0xFFFF  }
0x69: {  	[sflag:s0] =	ssyncadd.tile.s32 @!p0 $0x1;
	_ =	shalt  }
.Lfunc_end2:
_tile_overlayer_lowered:
.L_overlay_start_2:
0x6a: {  	(tag) =	ssettag $0x2  }
0x6b: {  	s0 =	rddreg [dreg:$0x0];
	s2 =	stileid.u32  }
0x6c: {  	s1 =	rddreg [dreg:$0x1];
	p0 =	sne.s32 s2, $0x0  }
0x6d: {  	s3 =	rddreg [dreg:$0x2];
	[bflag:$0x3] =	sbarrier.arrive $0xFFFF;
	s2 =	simm.s32 @!p0 $0x1C01  }
0x6e: {  	[timem:s3], [sflag:s2] =	dma.local @!p0 [hbm:s0], s1  }
0x6f: {  	s0 =	simm.s32 @!p0 $0x1  }
0x70: {  	_ =	swait.ge @!p0 [sflag:s0], s1  }
0x71: {  	s1 =	ssub.s32 @!p0 $0x0, s1;
	[sflag:s0] =	ssyncset.done @!p0 $0x0  }
0x72: {  	[sflag:s0] =	ssyncadd.s32 @!p0 s1  }
0x73: {  	[bflag:$0x3] =	sbarrier.arrive $0xFFFF  }
0x74: {  	_ =	shalt  }

// kernel: gather_offload_async_start.3
scs
__scs_entry_jumppad:
0x0: {  	(pc) =	sbr.rel $0x88, $3  }
0x1: {  	(tag) =	ssettag $0x0;
	lr =	simm.s32 $0x1  }
0x2: {  	[smem:$0x3F9D] =	sst lr;
	_ =	strace $0xD0000000  }
0x3: {  	_ = 	snop  }
0x4: {  	_ = 	snop  }
0x5: {  	_ = 	snop  }
0x6: {  	_ = 	snop  }
0x7: {  	_ = 	snop  }
__scs_overlays_trampoline_lowered:
0x8: {  	[smem:$0x3FAC] =	sst s0  }
0x9: {  	[smem:$0x3FAD] =	sst s1  }
0xa: {  	[smem:$0x3FAE] =	sst s2  }
0xb: {  	[smem:$0x3FAF] =	sst s3  }
0xc: {  	[smem:$0x3FB0] =	sst s4  }
0xd: {  	[smem:$0x3FB1] =	sst s5  }
0xe: {  	[smem:$0x3FB2] =	sst s6  }
0xf: {  	[smem:$0x3FB3] =	sst s7  }
0x10: {  	[smem:$0x3FB4] =	sst s8  }
0x11: {  	[smem:$0x3FB5] =	sst s9;
	s0 =	simm.s32 @!p0 $0x0  }
0x12: {  	s1 =	sld [smem:$0x3F9B];
	s0 =	simm.s32 @p0 $0x1  }
0x13: {  	[smem:$0x3FB6] =	sst s0;
	s0 =	simm.s32 @!p1 $0x0  }
0x14: {  	s2 =	sld [smem:$0x3F9A];
	s0 =	simm.s32 @p1 $0x1  }
0x15: {  	[smem:$0x3FB7] =	sst s0;
	s0 =	simm.s32 @!p2 $0x0  }
0x16: {  	s3 =	sld [smem:$0x3FDB];
	s0 =	simm.s32 @p2 $0x1  }
0x17: {  	s4 =	simm.s32 $0x1BF5;
	[smem:$0x3FB9] =	sst s0  }
0x18: {  	s0 =	sld [smem:$0x3F9C];
	_ =	swait.ge [sflag:s4], $0x0  }
0x19: {  	s7 =	sld [smem:$0x3F9D]  }
0x1a: {  	s8 =	sadd.s32 $0xFFFFE003, lr  }
0x1b: {  	s9 =	sadd.s32 $0xFFFFFEF7, lr;
	s5 =	simm.s32 $0xFFFFFFFF;
	p2 =	slt.u32 s8, $0xFFFFF086  }
0x1c: {  	p1 =	slt.u32 s9, $0xF7A;
	s5 =	simm.s32 @!p2 $0x0  }
0x1d: {  	s5 =	simm.s32 @p1 $0x1;
	p0 =	seq.s32 s7, s2  }
0x1e: {  	s7 =	smul.u32 @!p0 $0xF7A, s2;
	p2 =	seq.s32 @!p0 s5, $0x0  }
0x1f: {  	s9 =	smul.u32 $0xF7A, s1;
	s8 =	simm.s32 @!p0 $0x1BF5;
	p2 =	por !p2, p0  }
0x20: {  	[sflag:s8] =	ssyncset.s32 @!p0 $0xFFFFF086;
	s6 =	sadd.s32 @!p0 s3, s7;
	s7 =	simm.s32 @!p0 $0x108  }
0x21: {  	s3 =	sadd.s32 s3, s9;
	s6 =	sadd.s32 @!p0 $0x88, s6;
	s7 =	simm.s32 @p2 $0x1082  }
0x22: {  	[simem:s7], [sflag:s8] =	dma.local @!p0 [hbm:s6], $0xF7A  }
0x23: {  	s9 =	sor.u32 $0xD0000000, s2;
	s6 =	simm.s32 $0x108;
	_ =	swait.ge @!p0 [sflag:s8], $0x0  }
0x24: {  	s3 =	sadd.s32 $0x88, s3;
	s6 =	simm.s32 @!p1 $0x1082;
	[sflag:s4] =	ssyncset.s32 $0xFFFFF086  }
0x25: {  	[simem:s6], [sflag:s4] =	dma.local [hbm:s3], $0xF7A  }
0x26: {  	[smem:$0x3F9D] =	sst s1;
	(tag) =	ssettag s2;
	_ =	strace s9  }
0x27: {  	s1 =	sld [smem:$0x3FAD]  }
0x28: {  	s2 =	sld [smem:$0x3FAE]  }
0x29: {  	s4 =	sld [smem:$0x3FB0]  }
0x2a: {  	p0 =	seq.s32 s5, $0x0;
	s5 =	sld [smem:$0x3FB1]  }
0x2b: {  	s6 =	sld [smem:$0x3FB2]  }
0x2c: {  	s7 =	sld [smem:$0x3FB3]  }
0x2d: {  	s3 =	simm.s32 $0x108;
	s8 =	sld [smem:$0x3FB4]  }
0x2e: {  	s3 =	simm.s32 @!p0 $0x1082;
	s9 =	sld [smem:$0x3FB5]  }
0x2f: {  	lr =	sadd.s32 s0, s3;
	s0 =	sld [smem:$0x3FAC]  }
0x30: {  	s3 =	sld [smem:$0x3FAF]  }
0x31: {  	[smem:$0x3FB8] =	sst s10  }
0x32: {  	s10 =	sld [smem:$0x3FB6];
	_ =	sdelay $0x3  }
0x33: {  	p0 =	seq.s32 s10, $0x1;
	s10 =	sld [smem:$0x3FB8];
	_ =	sdelay $0x3  }
0x34: {  	[smem:$0x3FB8] =	sst s10  }
0x35: {  	s10 =	sld [smem:$0x3FB7];
	_ =	sdelay $0x3  }
0x36: {  	p1 =	seq.s32 s10, $0x1;
	s10 =	sld [smem:$0x3FB8];
	_ =	sdelay $0x3  }
0x37: {  	[smem:$0x3FB8] =	sst s10  }
0x38: {  	s10 =	sld [smem:$0x3FB9]  }
0x39: {  	_ = 	snop;
	(pc) =	sbr.ind lr, $3  }
0x3a: {  	_ = 	snop  }
0x3b: {  	_ = 	snop  }
0x3c: {  	p2 =	seq.s32 s10, $0x1;
	s10 =	sld [smem:$0x3FB8]  }
0x3d: {  	_ =	shalt  }
0x3e: {  	_ =	shalt  }
0x3f: {  	_ =	shalt  }
0x40: {  	_ =	shalt  }
0x41: {  	_ =	shalt  }
0x42: {  	_ =	shalt  }
0x43: {  	_ =	shalt  }
0x44: {  	_ =	shalt  }
0x45: {  	_ =	shalt  }
0x46: {  	_ =	shalt  }
0x47: {  	_ =	shalt  }
0x48: {  	_ =	shalt  }
0x49: {  	_ =	shalt  }
0x4a: {  	_ =	shalt  }
0x4b: {  	_ =	shalt  }
0x4c: {  	_ =	shalt  }
0x4d: {  	_ =	shalt  }
0x4e: {  	_ =	shalt  }
0x4f: {  	_ =	shalt  }
0x50: {  	_ =	shalt  }
0x51: {  	_ =	shalt  }
0x52: {  	_ =	shalt  }
0x53: {  	_ =	shalt  }
0x54: {  	_ =	shalt  }
0x55: {  	_ =	shalt  }
0x56: {  	_ =	shalt  }
0x57: {  	_ =	shalt  }
0x58: {  	_ =	shalt  }
0x59: {  	_ =	shalt  }
0x5a: {  	_ =	shalt  }
0x5b: {  	_ =	shalt  }
0x5c: {  	_ =	shalt  }
0x5d: {  	_ =	shalt  }
0x5e: {  	_ =	shalt  }
0x5f: {  	_ =	shalt  }
0x60: {  	_ =	shalt  }
0x61: {  	_ =	shalt  }
0x62: {  	_ =	shalt  }
0x63: {  	_ =	shalt  }
0x64: {  	_ =	shalt  }
0x65: {  	_ =	shalt  }
0x66: {  	_ =	shalt  }
0x67: {  	_ =	shalt  }
0x68: {  	_ =	shalt  }
0x69: {  	_ =	shalt  }
0x6a: {  	_ =	shalt  }
0x6b: {  	_ =	shalt  }
0x6c: {  	_ =	shalt  }
0x6d: {  	_ =	shalt  }
0x6e: {  	_ =	shalt  }
0x6f: {  	_ =	shalt  }
0x70: {  	_ =	shalt  }
0x71: {  	_ =	shalt  }
0x72: {  	_ =	shalt  }
0x73: {  	_ =	shalt  }
0x74: {  	_ =	shalt  }
0x75: {  	_ =	shalt  }
0x76: {  	_ =	shalt  }
0x77: {  	_ =	shalt  }
0x78: {  	_ =	shalt  }
0x79: {  	_ =	shalt  }
0x7a: {  	_ =	shalt  }
0x7b: {  	_ =	shalt  }
0x7c: {  	_ =	shalt  }
0x7d: {  	_ =	shalt  }
0x7e: {  	_ =	shalt  }
0x7f: {  	_ =	shalt  }
0x80: {  	_ =	shalt  }
0x81: {  	_ =	shalt  }
0x82: {  	_ =	shalt  }
0x83: {  	_ =	shalt  }
0x84: {  	_ =	shalt  }
0x85: {  	_ =	shalt  }
0x86: {  	_ =	shalt  }
0x87: {  	_ =	shalt  }
.Lfunc_end0:
.L_simem_size_0:
called_computation.3_lowered:
.L_overlay_start_0:
0x88: {  	s2 =	sld [smem:$0x3FD9]  }
0x89: {  	s3 =	sld [smem:$0x3FFE];
	_ =	sdelay $0x1  }
0x8a: {  	s1 =	srdreg.scid  }
0x8b: {  	s0 =	sand.u32 $0x1, s1  }
0x8c: {  	s16 =	sshll.u32 s0, $0xA;
	s2 =	sadd.s32 s3, s2  }
0x8d: {  	s2 =	sadd.s32 s2, s16  }
0x8e: {  	[smem:$0x3FC4] =	sst s2  }
0x8f: {  	_ = 	snop  }
0x90: {  	(tm) =	ssettm $0x1  }
0x91: {  	s17 =	sld [smem:$0x3FFB];
	_ =	sdelay $0x3  }
0x92: {  	_ =	strace s17  }
0x93: {  	s2 =	sld [smem:$0x3FFC];
	_ =	sdelay $0x3  }
0x94: {  	_ =	strace s2  }
0x95: {  	s2 =	sld [smem:$0x3FFD];
	_ =	sdelay $0x3  }
0x96: {  	_ =	strace s2  }
0x97: {  	_ =	strace $0x8FFFFFFF  }
0x98: {  	s18 =	sld [smem:$0x3FDB];
	_ =	sdelay $0x1  }
0x99: {  	s19 =	simm.s32 $_scs_section_size  }
0x9a: {  	s4 =	simm.s32 $_size__tile_overlayer_lowered;
	s5 =	simm.s32 $_tile_overlayer_lowered  }
0x9b: {  	s22 =	simm.s32 $0x1BFF;
	s21 =	sshll.u32 s5, $0x1;
	s2 =	sadd.s32 s19, s18  }
0x9c: {  	s6 =	simm.s32 $0x0;
	s20 =	sshll.u32 s4, $0x1;
	s4 =	sadd.s32 s21, s2  }
0x9d: {  	[timem:s6], [sflag:s22] =	dma.local [hbm:s4], s20  }
0x9e: {  	_ =	swait.ge [sflag:s22], s20  }
0x9f: {  	s3 =	ssub.s32 $0x0, s20;
	[sflag:s22] =	ssyncset.done $0x0  }
0xa0: {  	[sflag:s22] =	ssyncadd.s32 s3;
	_ =	sdelay $0x1  }
0xa1: {  	s23 =	simm.s32 $0x1B8B  }
0xa2: {  	_ =	swait.ge [sflag:s23], $0x1  }
0xa3: {  	[sflag:s23] =	ssyncset.done $0x0  }
0xa4: {  	s25 =	simm.s32 $0x1B8E;
	s24 =	sld [smem:$0x3FFE];
	[sflag:s23] =	ssyncadd.s32 $0xFFFFFFFF  }
0xa5: {  	s26 =	simm.s32 $execute0_lowered;
	[smem:$0x3FD2] =	sst s25  }
0xa6: {  	s4 =	sshll.u32 s26, $0x1;
	_ =	strace $0x8000004C;
	[dreg:$0x1] =	wrdreg $0xFFFFFFFF  }
0xa7: {  	s28 =	simm.s32 $_size_execute0_lowered;
	s2 =	sadd.s32 s2, s4;
	[dreg:$0x0] =	wrdreg $0x0  }
0xa8: {  	s4 =	sshll.u32 s28, $0x1;
	[dreg:$0x2] =	wrdreg s2  }
0xa9: {  	[dreg:$0x3] =	wrdreg s4  }
0xaa: {  	[dreg:$0x4] =	wrdreg $0xC0  }
0xab: {  	_ =	task [dreg:s6], $0x5FFFF  }
0xac: {  	[dreg:$0x1] =	wrdreg $0xFFFFFFFF  }
0xad: {  	[dreg:$0x0] =	wrdreg $0x60  }
0xae: {  	[dreg:$0x2] =	wrdreg s24  }
0xaf: {  	[dreg:$0x3] =	wrdreg $0xA  }
0xb0: {  	_ =	task.clear_ibuf [dreg:s6], $0x4FFFF;
	_ =	strace $0x9000004C  }
0xb1: {  	s29 =	simm.s32 $0xA;
	_ =	strace $0x8000004E  }
0xb2: {  	_ =	swait.ge [sflag:s29], $0x1  }
0xb3: {  	[sflag:s29] =	ssyncadd.s32 $0xFFFFFFFF  }
0xb4: {  	_ =	strace $0x9000004E  }
0xb5: {  	_ =	sfence  }
0xb6: {  	s30 =	sld [smem:$0x0];
	_ =	sdelay $0x2  }
0xb7: {  	s31 =	sshll.u32 s1, $0xD;
	s1 =	sshrl.u32 s1, $0x2  }
0xb8: {  	s3 =	sand.u32 $0x4000, s31;
	s1 =	sadd.s32 s1, s30  }
0xb9: {  	s0 =	sor.u32 s3, s0;
	s1 =	sshll.u32 s1, $0x11  }
0xba: {  	s0 =	sor.u32 s1, s0  }
0xbb: {  	s0 =	sadd.s32 $0x8F2B, s0  }
0xbc: {  	[sflag:s0] =	ssyncadd.remote.s32 $0x1  }
0xbd: {  	_ =	sfence.sel $0xFFFF  }
0xbe: {  	[dreg:$0x0] =	wrdreg $0xFFFFFFFF;
	(pc) =	sbr.abs _section_cstart, $3  }
0xbf: {  	[dreg:$0x1] =	wrdreg $0xFFFFFFFF  }
0xc0: {  	_ =	task.clear_ibuf [dreg:s6], $0x2FFFF;
	_ =	strace $0x9FFFFFFF  }
0xc1: {  	(tm) =	ssettm $0x7FFFFFFF  }
tec
execute0_lowered:
.L_overlay_start_1:
0x0: {  	(tag) =	ssettag $0x1  }
0x1: {  	s0 =	stileid.u32  }
0x2: {  	s1 =	srdreg.scid;
	s2 =	rddreg [dreg:$0x0]  }
0x3: {  	s5 =	simm.s32 $0x1;
	s8 =	simm.s32 $0x1;
	s9 =	simm.s32 $0x3  }
0x4: {  	s10 =	simm.s32 $0x0;
	s3 =	sand.u32 $0x1, s1;
	s4 =	sshll.u32 s0, $0x1  }
0x5: {  	s13 =	simm.s32 $0x0;
	s12 =	simm.s32 $0x0;
	s6 =	sor.u32 s4, s3  }
0x6: {  	s1 =	rddreg [dreg:$0x1];
	_ =	strace $0x8000004D;
	s4 =	smul.u32 $0xA0, s6  }
0x7: {  	s3 =	sadd.s32 $0x1000, s2;
	p0 =	slt.u32 s6, $0x13;
	s6 =	simm.s32 $0x1400  }
.Ltmp0:
0x8: {  	s6 =	simm.s32 @!p0 $0x0;
	s7 =	ssub.s32 $0x1F40, s4;
	(pc) =	sbr.rel .LBB2_1-.Ltmp0, $4  }
0x9: {  	s8 =	simm.s32 @!p0 $0x0;
	p0 =	sne.s32 s7, s6;
	s7 =	simm.s32 $0x1  }
0xa: {  	[sflag:s5] =	ssyncpa.u1 $0x0;
	s6 =	simm.s32 $0x2;
	s7 =	simm.s32 @!p0 $0x0  }
0xb: {  	s11 =	smov.u32 s4;
	[sflag:s6] =	ssyncpa.u1 $0x0;
	s7 =	sadd.s32 s8, s7  }
0xc: {  	vm0 =	vmmov $0xffff;
	s8 =	sadd.s32 $0xC00, s2;
	[sflag:s9] =	ssyncpa.u1 $0x0;
	s9 =	sadd.s32 $0x1, s7  }
.LBB2_4:
0xd: {  	v5 =	vld.msk [tilespmem:s18+$0x0 ss:$0x1], $0xffff  }
0xe: {  	v6 =	vand.u32 $0x7, v1;
	v7 =	vshrl.u32 v1, $0x3  }
0xf: {  	v3 =	vor.u32 v4, v3;
	vm1 =	veq.s32 v1, $0x80000000;
	v53 =	vand.u32 $0x3FF, v7  }
0x10: {  	v2 =	vor.u32 v2, v3;
	v54 =	vsel vm1, $0xFFFFFFFF, v6;
	v1 =	vsel vm1, $0xFFFFFFFF, v53  }
0x11: {  	v6 =	vshll.u32 v54, $0x7;
	v3 =	vand.u32 $0xFFFFE000, v54;
	v55 =	vand.u32 $0x7F, v1  }
0x12: {  	v1 =	vshll.u32 v1, $0x3;
	v6 =	vand.u32 $0x380, v6;
	v56 =	vshrl.u32 v5, $0x3  }
0x13: {  	v1 =	vand.u32 $0xFFFFFC00, v1;
	vm1 =	veq.s32 v5, $0x80000000;
	v57 =	vand.u32 $0x3FF, v56  }
0x14: {  	v1 =	vadd.s32 v3, v1;
	v5 =	vand.u32 $0x7, v5;
	v3 =	vsel vm1, $0xFFFFFFFF, v57  }
0x15: {  	v1 =	vor.u32 v6, v1;
	v5 =	vsel vm1, $0xFFFFFFFF, v5;
	v58 =	vshll.u32 v3, $0x3  }
0x16: {  	v59 =	vshll.u32 v5, $0x7;
	v5 =	vand.u32 $0xFFFFE000, v5;
	v6 =	vand.u32 $0xFFFFFC00, v58  }
0x17: {  	v1 =	vor.u32 v55, v1;
	v61 =	vand.u32 $0x380, v59;
	v60 =	vadd.s32 v5, v6  }
0x18: {  	[tilespmem:s16], [sflag:$0x1] =	stream.indirect_vreg.gather [hbm4b:s3+s10], $0x1, v0, vm0, $0x4038;
	v62 =	vand.u32 $0x7F, v3;
	v63 =	vor.u32 v61, v60;
	[tilespmem:$0x280] =	vst v63  }
0x19: {  	(ifvalue) =	ssetifvalue $0x7FFFFFFF;
	v0 =	vor.u32 v62, v63  }
0x1a: {  	[tilespmem:s15], [sflag:$0x1] =	stream.indirect_vreg.gather [hbm4b:s3+s10], $0x1, v2, vm0, $0x4038;
	[tilespmem:$0x280] =	vst v63  }
0x1b: {  	s29 =	sadd.s32 $0x10, s15;
	(ifvalue) =	ssetifvalue $0x7FFFFFFF  }
0x1c: {  	[tilespmem:s29], [sflag:$0x1] =	stream.indirect_vreg.gather [hbm4b:s3+s10], $0x1, v1, vm0, $0x4038;
	[tilespmem:$0x280] =	vst v63  }
0x1d: {  	s15 =	sadd.s32 $0x10, s29;
	(ifvalue) =	ssetifvalue $0x7FFFFFFF  }
0x1e: {  	[tilespmem:s15], [sflag:$0x1] =	stream.indirect_vreg.gather [hbm4b:s3+s10], $0x1, v0, vm0, $0x4038;
	[tilespmem:$0x280] =	vst v63  }
0x1f: {  	_ =	swait.ge [sflag:s5], $0xA0  }
0x20: {  	s30 =	sshrl.u32 s13, $0x3;
	[sflag:s5] =	ssyncset.done $0x0  }
0x21: {  	s31 =	sand.u32 $0x7, s13;
	s15 =	sadd.s32 s2, s30;
	[sflag:s5] =	ssyncadd.s32 $0xFFFFFF60  }
0x22: {  	[hbm4b:s15+s31] =	stream.linear.scatter [tilespmem:s14], [sflag:$0x3], $0xA0, $0x38;
	[tilespmem:$0x280] =	vst v63  }
.LBB2_5:
0x23: {  	s15 =	sadd.s32 $0x1400, s11  }
0x24: {  	p1 =	sgt.s32 s15, $0x1F3F  }
0x25: {  	s15 =	smov.u32 @p1 s4;
	p1 =	sne.s32 s12, s9  }
.Ltmp1:
0x26: {  	p0 =	slt.u32 s12, $0x2;
	(pc) =	sbr.rel @!p1 .LBB2_6-.Ltmp1, $4  }
0x27: {  	s14 =	simm.s32 @!p0 $0x3  }
0x28: {  	_ =	swait.ge @!p0 [sflag:s14], $0xA0  }
0x29: {  	s16 =	sadd.s32 $0x1, s12;
	s13 =	smov.u32 s11;
	[sflag:s14] =	ssyncset.done @!p0 $0x0  }
0x2a: {  	s12 =	smov.u32 s16;
	s11 =	smov.u32 s15;
	[sflag:s14] =	ssyncadd.s32 @!p0 $0xFFFFFF60  }
.LBB2_1:
0x2b: {  	p0 =	sge.u32 s12, s7  }
0x2c: {  	s14 =	sxor.u32 @!p0 $0x1, s12  }
0x2d: {  	s14 =	smul.u32 @!p0 $0x280, s14  }
0x2e: {  	s31 =	sadd.s32 $0xFFFFFFFF, s12;
	s15 =	sshrl.u32 @!p0 s11, $0x3  }
0x2f: {  	s16 =	sand.u32 @!p0 $0x7, s11;
	s15 =	sadd.s32 @!p0 s8, s15;
	s14 =	sshra.s32 @!p0 s14, $0x2  }
0x30: {  	[tilespmem:s14], [sflag:$0x2] =	stream.linear.gather @!p0 [hbm4b:s15+s16], $0xA0, $0x38;
	[tilespmem:$0x280] =	vst v63  }
0x31: {  	p0 =	sge.u32 s31, s7  }
.Ltmp2:
0x32: {  	_ = 	snop;
	(pc) =	sbr.rel @p0 .LBB2_5-.Ltmp2, $1  }
0x33: {  	_ =	sdelay $0x3  }
0x34: {  	s14 =	sand.u32 $0x1, s12  }
0x35: {  	_ =	swait.ge [sflag:s6], $0xA0;
	p0 =	seq.s32 s14, $0x1;
	s14 =	simm.s32 $0xA0  }
0x36: {  	[sflag:s6] =	ssyncset.done $0x0;
	s14 =	simm.s32 @!p0 $0x0  }
0x37: {  	[sflag:s6] =	ssyncadd.s32 $0xFFFFFF60;
	(ifvalue) =	ssetifvalue $0x7FFFFFFF;
	v0 =	vld.msk [tilespmem:s14+$0x0 ss:$0x1], $0xffff;
	_ =	sdelay $0x4  }
0x38: {  	s15 =	sadd.s32 $0x10, s14;
	v2 =	vshrl.u32 v0, $0x3  }
0x39: {  	v1 =	vld.msk [tilespmem:s15+$0x0 ss:$0x1], $0xffff;
	vm1 =	veq.s32 v0, $0x80000000;
	v2 =	vand.u32 $0x3FF, v2  }
0x3a: {  	v0 =	vand.u32 $0x7, v0;
	v2 =	vsel vm1, $0xFFFFFFFF, v2  }
0x3b: {  	v0 =	vsel vm1, $0xFFFFFFFF, v0;
	v3 =	vshll.u32 v2, $0x3  }
0x3c: {  	v4 =	vand.u32 $0xFFFFE000, v0;
	v0 =	vshll.u32 v0, $0x7;
	v3 =	vand.u32 $0xFFFFFC00, v3  }
0x3d: {  	v0 =	vand.u32 $0x380, v0;
	v3 =	vadd.s32 v4, v3  }
0x3e: {  	v2 =	vand.u32 $0x7F, v2;
	v4 =	vshrl.u32 v1, $0x3;
	v0 =	vor.u32 v0, v3  }
0x3f: {  	vm1 =	veq.s32 v1, $0x80000000;
	v4 =	vand.u32 $0x3FF, v4;
	v0 =	vor.u32 v2, v0  }
0x40: {  	s15 =	sadd.s32 $0x10, s15;
	v1 =	vand.u32 $0x7, v1;
	v3 =	vsel vm1, $0xFFFFFFFF, v4  }
0x41: {  	s14 =	sor.u32 $0x140, s14;
	v2 =	vsel vm1, $0xFFFFFFFF, v1;
	v1 =	vld.msk [tilespmem:s15+$0x0 ss:$0x1], $0xffff;
	v4 =	vshll.u32 v3, $0x3  }
0x42: {  	s17 =	simm.s32 $0x30;
	s16 =	smov.u32 s14;
	v5 =	vshll.u32 v2, $0x7;
	v6 =	vand.u32 $0xFFFFE000, v2;
	v4 =	vand.u32 $0xFFFFFC00, v4  }
0x43: {  	s18 =	sadd.s32 $0x10, s15;
	(ifvalue) =	ssetifvalue $0x7FFFFFFF;
	s15 =	sadd.s32 $0x10, s14;
	v2 =	vand.u32 $0x7F, v3;
	v3 =	vadd.s32 v6, v4;
	v4 =	vand.u32 $0x380, v5  }
.LBB2_3:
0x44: {  	[tilespmem:s16], [sflag:$0x1] =	stream.indirect_vreg.gather [hbm4b:s3+s10], $0x1, v0, vm0, $0x4038;
	[tilespmem:$0x280] =	vst v63  }
0x45: {  	s17 =	sadd.s32 $0x10, s17  }
0x46: {  	v5 =	vand.u32 $0x7, v1;
	v6 =	vshrl.u32 v1, $0x3;
	v3 =	vor.u32 v4, v3;
	v0 =	vmovc v1;
	v1 =	vld.msk [tilespmem:s18+$0x0 ss:$0x1], $0xffff;
	p0 =	slt.u32 s17, $0x90  }
.Ltmp3:
0x47: {  	s16 =	smov.u32 s15;
	vm1 =	veq.s32 v0, $0x80000000;
	v4 =	vand.u32 $0x3FF, v6;
	v0 =	vor.u32 v2, v3;
	(pc) =	sbr.rel @p0 .LBB2_3-.Ltmp3, $4  }
0x48: {  	v3 =	vsel vm1, $0xFFFFFFFF, v5;
	v4 =	vsel vm1, $0xFFFFFFFF, v4  }
0x49: {  	v2 =	vand.u32 $0x7F, v4;
	v4 =	vshll.u32 v4, $0x3;
	v5 =	vshll.u32 v3, $0x7  }
0x4a: {  	v3 =	vand.u32 $0xFFFFE000, v3;
	v4 =	vand.u32 $0xFFFFFC00, v4  }
0x4b: {  	s18 =	sadd.s32 $0x10, s18;
	s15 =	sadd.s32 $0x10, s15;
	v3 =	vadd.s32 v3, v4;
	v4 =	vand.u32 $0x380, v5;
	(ifvalue) =	ssetifvalue $0x7FFFFFFF  }
.Ltmp4:
0x4c: {  	_ = 	snop;
	(pc) =	sbr.rel .LBB2_4-.Ltmp4, $1  }
0x4d: {  	_ =	sdelay $0x3  }
.LBB2_6:
0x4e: {  	_ =	sfence.sel $0x180000  }
0x4f: {  	s2 =	simm.s32 $0x2;
	[bflag:$0x0] =	sbarrier.arrive $0xFFFF  }
0x50: {  	s30 =	simm.s32 $0x3;
	[sflag:s2] =	ssyncpa.u1 $0x1  }
0x51: {  	s31 =	simm.s32 $0x1;
	[sflag:s30] =	ssyncpa.u1 $0x1  }
0x52: {  	[sflag:s31] =	ssyncpa.u1 $0x1  }
0x53: {  	p0 =	sne.s32 s0, $0x0;
	_ =	strace $0x9000004D  }
0x54: {  	s0 =	sadd.s32 @!p0 $0x100000, s1;
	[bflag:$0x2] =	sbarrier.arrive $0xFFFF  }
0x55: {  	[sflag:s0] =	ssyncadd.tile.s32 @!p0 $0x1;
	_ =	shalt  }
.Lfunc_end2:
_tile_overlayer_lowered:
.L_overlay_start_2:
0x56: {  	(tag) =	ssettag $0x2  }
0x57: {  	s0 =	rddreg [dreg:$0x0];
	s2 =	stileid.u32  }
0x58: {  	s1 =	rddreg [dreg:$0x1];
	p0 =	sne.s32 s2, $0x0  }
0x59: {  	s3 =	rddreg [dreg:$0x2];
	[bflag:$0x3] =	sbarrier.arrive $0xFFFF;
	s2 =	simm.s32 @!p0 $0x1C01  }
0x5a: {  	[timem:s3], [sflag:s2] =	dma.local @!p0 [hbm:s0], s1  }
0x5b: {  	s0 =	simm.s32 @!p0 $0x1  }
0x5c: {  	_ =	swait.ge @!p0 [sflag:s0], s1  }
0x5d: {  	s1 =	ssub.s32 @!p0 $0x0, s1;
	[sflag:s0] =	ssyncset.done @!p0 $0x0  }
0x5e: {  	[sflag:s0] =	ssyncadd.s32 @!p0 s1  }
0x5f: {  	[bflag:$0x3] =	sbarrier.arrive $0xFFFF  }
0x60: {  	_ =	shalt  }

// kernel: gather_offload_async_start.4
scs
__scs_entry_jumppad:
0x0: {  	(pc) =	sbr.rel $0x88, $3  }
0x1: {  	(tag) =	ssettag $0x0;
	lr =	simm.s32 $0x1  }
0x2: {  	[smem:$0x3F9D] =	sst lr;
	_ =	strace $0xD0000000  }
0x3: {  	_ = 	snop  }
0x4: {  	_ = 	snop  }
0x5: {  	_ = 	snop  }
0x6: {  	_ = 	snop  }
0x7: {  	_ = 	snop  }
__scs_overlays_trampoline_lowered:
0x8: {  	[smem:$0x3FAC] =	sst s0  }
0x9: {  	[smem:$0x3FAD] =	sst s1  }
0xa: {  	[smem:$0x3FAE] =	sst s2  }
0xb: {  	[smem:$0x3FAF] =	sst s3  }
0xc: {  	[smem:$0x3FB0] =	sst s4  }
0xd: {  	[smem:$0x3FB1] =	sst s5  }
0xe: {  	[smem:$0x3FB2] =	sst s6  }
0xf: {  	[smem:$0x3FB3] =	sst s7  }
0x10: {  	[smem:$0x3FB4] =	sst s8  }
0x11: {  	[smem:$0x3FB5] =	sst s9;
	s0 =	simm.s32 @!p0 $0x0  }
0x12: {  	s1 =	sld [smem:$0x3F9B];
	s0 =	simm.s32 @p0 $0x1  }
0x13: {  	[smem:$0x3FB6] =	sst s0;
	s0 =	simm.s32 @!p1 $0x0  }
0x14: {  	s2 =	sld [smem:$0x3F9A];
	s0 =	simm.s32 @p1 $0x1  }
0x15: {  	[smem:$0x3FB7] =	sst s0;
	s0 =	simm.s32 @!p2 $0x0  }
0x16: {  	s3 =	sld [smem:$0x3FDB];
	s0 =	simm.s32 @p2 $0x1  }
0x17: {  	s4 =	simm.s32 $0x1BF5;
	[smem:$0x3FB9] =	sst s0  }
0x18: {  	s0 =	sld [smem:$0x3F9C];
	_ =	swait.ge [sflag:s4], $0x0  }
0x19: {  	s7 =	sld [smem:$0x3F9D]  }
0x1a: {  	s8 =	sadd.s32 $0xFFFFE003, lr  }
0x1b: {  	s9 =	sadd.s32 $0xFFFFFEF7, lr;
	s5 =	simm.s32 $0xFFFFFFFF;
	p2 =	slt.u32 s8, $0xFFFFF086  }
0x1c: {  	p1 =	slt.u32 s9, $0xF7A;
	s5 =	simm.s32 @!p2 $0x0  }
0x1d: {  	s5 =	simm.s32 @p1 $0x1;
	p0 =	seq.s32 s7, s2  }
0x1e: {  	s7 =	smul.u32 @!p0 $0xF7A, s2;
	p2 =	seq.s32 @!p0 s5, $0x0  }
0x1f: {  	s9 =	smul.u32 $0xF7A, s1;
	s8 =	simm.s32 @!p0 $0x1BF5;
	p2 =	por !p2, p0  }
0x20: {  	[sflag:s8] =	ssyncset.s32 @!p0 $0xFFFFF086;
	s6 =	sadd.s32 @!p0 s3, s7;
	s7 =	simm.s32 @!p0 $0x108  }
0x21: {  	s3 =	sadd.s32 s3, s9;
	s6 =	sadd.s32 @!p0 $0x88, s6;
	s7 =	simm.s32 @p2 $0x1082  }
0x22: {  	[simem:s7], [sflag:s8] =	dma.local @!p0 [hbm:s6], $0xF7A  }
0x23: {  	s9 =	sor.u32 $0xD0000000, s2;
	s6 =	simm.s32 $0x108;
	_ =	swait.ge @!p0 [sflag:s8], $0x0  }
0x24: {  	s3 =	sadd.s32 $0x88, s3;
	s6 =	simm.s32 @!p1 $0x1082;
	[sflag:s4] =	ssyncset.s32 $0xFFFFF086  }
0x25: {  	[simem:s6], [sflag:s4] =	dma.local [hbm:s3], $0xF7A  }
0x26: {  	[smem:$0x3F9D] =	sst s1;
	(tag) =	ssettag s2;
	_ =	strace s9  }
0x27: {  	s1 =	sld [smem:$0x3FAD]  }
0x28: {  	s2 =	sld [smem:$0x3FAE]  }
0x29: {  	s4 =	sld [smem:$0x3FB0]  }
0x2a: {  	p0 =	seq.s32 s5, $0x0;
	s5 =	sld [smem:$0x3FB1]  }
0x2b: {  	s6 =	sld [smem:$0x3FB2]  }
0x2c: {  	s7 =	sld [smem:$0x3FB3]  }
0x2d: {  	s3 =	simm.s32 $0x108;
	s8 =	sld [smem:$0x3FB4]  }
0x2e: {  	s3 =	simm.s32 @!p0 $0x1082;
	s9 =	sld [smem:$0x3FB5]  }
0x2f: {  	lr =	sadd.s32 s0, s3;
	s0 =	sld [smem:$0x3FAC]  }
0x30: {  	s3 =	sld [smem:$0x3FAF]  }
0x31: {  	[smem:$0x3FB8] =	sst s10  }
0x32: {  	s10 =	sld [smem:$0x3FB6];
	_ =	sdelay $0x3  }
0x33: {  	p0 =	seq.s32 s10, $0x1;
	s10 =	sld [smem:$0x3FB8];
	_ =	sdelay $0x3  }
0x34: {  	[smem:$0x3FB8] =	sst s10  }
0x35: {  	s10 =	sld [smem:$0x3FB7];
	_ =	sdelay $0x3  }
0x36: {  	p1 =	seq.s32 s10, $0x1;
	s10 =	sld [smem:$0x3FB8];
	_ =	sdelay $0x3  }
0x37: {  	[smem:$0x3FB8] =	sst s10  }
0x38: {  	s10 =	sld [smem:$0x3FB9]  }
0x39: {  	_ = 	snop;
	(pc) =	sbr.ind lr, $3  }
0x3a: {  	_ = 	snop  }
0x3b: {  	_ = 	snop  }
0x3c: {  	p2 =	seq.s32 s10, $0x1;
	s10 =	sld [smem:$0x3FB8]  }
0x3d: {  	_ =	shalt  }
0x3e: {  	_ =	shalt  }
0x3f: {  	_ =	shalt  }
0x40: {  	_ =	shalt  }
0x41: {  	_ =	shalt  }
0x42: {  	_ =	shalt  }
0x43: {  	_ =	shalt  }
0x44: {  	_ =	shalt  }
0x45: {  	_ =	shalt  }
0x46: {  	_ =	shalt  }
0x47: {  	_ =	shalt  }
0x48: {  	_ =	shalt  }
0x49: {  	_ =	shalt  }
0x4a: {  	_ =	shalt  }
0x4b: {  	_ =	shalt  }
0x4c: {  	_ =	shalt  }
0x4d: {  	_ =	shalt  }
0x4e: {  	_ =	shalt  }
0x4f: {  	_ =	shalt  }
0x50: {  	_ =	shalt  }
0x51: {  	_ =	shalt  }
0x52: {  	_ =	shalt  }
0x53: {  	_ =	shalt  }
0x54: {  	_ =	shalt  }
0x55: {  	_ =	shalt  }
0x56: {  	_ =	shalt  }
0x57: {  	_ =	shalt  }
0x58: {  	_ =	shalt  }
0x59: {  	_ =	shalt  }
0x5a: {  	_ =	shalt  }
0x5b: {  	_ =	shalt  }
0x5c: {  	_ =	shalt  }
0x5d: {  	_ =	shalt  }
0x5e: {  	_ =	shalt  }
0x5f: {  	_ =	shalt  }
0x60: {  	_ =	shalt  }
0x61: {  	_ =	shalt  }
0x62: {  	_ =	shalt  }
0x63: {  	_ =	shalt  }
0x64: {  	_ =	shalt  }
0x65: {  	_ =	shalt  }
0x66: {  	_ =	shalt  }
0x67: {  	_ =	shalt  }
0x68: {  	_ =	shalt  }
0x69: {  	_ =	shalt  }
0x6a: {  	_ =	shalt  }
0x6b: {  	_ =	shalt  }
0x6c: {  	_ =	shalt  }
0x6d: {  	_ =	shalt  }
0x6e: {  	_ =	shalt  }
0x6f: {  	_ =	shalt  }
0x70: {  	_ =	shalt  }
0x71: {  	_ =	shalt  }
0x72: {  	_ =	shalt  }
0x73: {  	_ =	shalt  }
0x74: {  	_ =	shalt  }
0x75: {  	_ =	shalt  }
0x76: {  	_ =	shalt  }
0x77: {  	_ =	shalt  }
0x78: {  	_ =	shalt  }
0x79: {  	_ =	shalt  }
0x7a: {  	_ =	shalt  }
0x7b: {  	_ =	shalt  }
0x7c: {  	_ =	shalt  }
0x7d: {  	_ =	shalt  }
0x7e: {  	_ =	shalt  }
0x7f: {  	_ =	shalt  }
0x80: {  	_ =	shalt  }
0x81: {  	_ =	shalt  }
0x82: {  	_ =	shalt  }
0x83: {  	_ =	shalt  }
0x84: {  	_ =	shalt  }
0x85: {  	_ =	shalt  }
0x86: {  	_ =	shalt  }
0x87: {  	_ =	shalt  }
.Lfunc_end0:
.L_simem_size_0:
called_computation.4_lowered:
.L_overlay_start_0:
0x88: {  	s2 =	sld [smem:$0x3FD9]  }
0x89: {  	s3 =	sld [smem:$0x3FFE];
	_ =	sdelay $0x1  }
0x8a: {  	s1 =	srdreg.scid  }
0x8b: {  	s0 =	sand.u32 $0x1, s1  }
0x8c: {  	s17 =	sshll.u32 s0, $0xA;
	s2 =	sadd.s32 s3, s2  }
0x8d: {  	s2 =	sadd.s32 s2, s17  }
0x8e: {  	[smem:$0x3FC4] =	sst s2  }
0x8f: {  	_ = 	snop  }
0x90: {  	s2 =	sld [smem:$0x3FD0];
	(tm) =	ssettm $0x1  }
0x91: {  	s18 =	sld [smem:$0x3FFB];
	_ =	sdelay $0x3  }
0x92: {  	_ =	strace s18  }
0x93: {  	s3 =	sld [smem:$0x3FFC];
	_ =	sdelay $0x3  }
0x94: {  	_ =	strace s3  }
0x95: {  	s3 =	sld [smem:$0x3FFD];
	_ =	sdelay $0x3  }
0x96: {  	_ =	strace s3  }
0x97: {  	_ =	strace $0x8FFFFFFF  }
0x98: {  	s19 =	sld [smem:$0x3FDB];
	_ =	sdelay $0x1  }
0x99: {  	s4 =	simm.s32 $_scs_section_size  }
0x9a: {  	s5 =	simm.s32 $_size__tile_overlayer_lowered;
	s6 =	simm.s32 $_tile_overlayer_lowered  }
0x9b: {  	s22 =	simm.s32 $0x1BFF;
	s21 =	sshll.u32 s6, $0x1;
	s3 =	sadd.s32 s4, s19  }
0x9c: {  	s7 =	simm.s32 $0x0;
	s20 =	sshll.u32 s5, $0x1;
	s5 =	sadd.s32 s21, s3  }
0x9d: {  	[timem:s7], [sflag:s22] =	dma.local [hbm:s5], s20  }
0x9e: {  	_ =	swait.ge [sflag:s22], s20  }
0x9f: {  	s4 =	ssub.s32 $0x0, s20;
	[sflag:s22] =	ssyncset.done $0x0  }
0xa0: {  	[sflag:s22] =	ssyncadd.s32 s4;
	_ =	sdelay $0x1  }
0xa1: {  	s23 =	simm.s32 $0x1B8B  }
0xa2: {  	_ =	swait.ge [sflag:s23], $0x1  }
0xa3: {  	[sflag:s23] =	ssyncset.done $0x0  }
0xa4: {  	s25 =	simm.s32 $0x1B8E;
	s24 =	sld [smem:$0x3FFE];
	[sflag:s23] =	ssyncadd.s32 $0xFFFFFFFF  }
0xa5: {  	s26 =	simm.s32 $execute0_lowered;
	[smem:$0x3FD2] =	sst s25  }
0xa6: {  	s5 =	sshll.u32 s26, $0x1;
	_ =	strace $0x80000052;
	[dreg:$0x1] =	wrdreg $0xFFFFFFFF  }
0xa7: {  	s28 =	simm.s32 $_size_execute0_lowered;
	s3 =	sadd.s32 s3, s5;
	[dreg:$0x0] =	wrdreg $0x0  }
0xa8: {  	s5 =	sshll.u32 s28, $0x1;
	[dreg:$0x2] =	wrdreg s3  }
0xa9: {  	[dreg:$0x3] =	wrdreg s5  }
0xaa: {  	[dreg:$0x4] =	wrdreg $0xC0  }
0xab: {  	_ =	task [dreg:s7], $0x5FFFF  }
0xac: {  	[dreg:$0x1] =	wrdreg $0xFFFFFFFF  }
0xad: {  	[dreg:$0x0] =	wrdreg $0x60  }
0xae: {  	[dreg:$0x2] =	wrdreg s2  }
0xaf: {  	[dreg:$0x3] =	wrdreg s24  }
0xb0: {  	[dreg:$0x4] =	wrdreg $0x9  }
0xb1: {  	_ =	task.clear_ibuf [dreg:s7], $0x5FFFF;
	_ =	strace $0x90000052  }
0xb2: {  	s29 =	simm.s32 $0x9;
	_ =	strace $0x80000054  }
0xb3: {  	_ =	swait.ge [sflag:s29], $0x1  }
0xb4: {  	[sflag:s29] =	ssyncadd.s32 $0xFFFFFFFF  }
0xb5: {  	_ =	strace $0x90000054  }
0xb6: {  	_ =	sfence  }
0xb7: {  	s30 =	sld [smem:$0x0];
	_ =	sdelay $0x2  }
0xb8: {  	s31 =	sshll.u32 s1, $0xD;
	s1 =	sshrl.u32 s1, $0x2  }
0xb9: {  	s3 =	sand.u32 $0x4000, s31;
	s1 =	sadd.s32 s1, s30  }
0xba: {  	s0 =	sor.u32 s3, s0;
	s1 =	sshll.u32 s1, $0x11  }
0xbb: {  	s0 =	sor.u32 s1, s0  }
0xbc: {  	s0 =	sadd.s32 $0x8F2B, s0  }
0xbd: {  	[sflag:s0] =	ssyncadd.remote.s32 $0x1  }
0xbe: {  	_ =	sfence.sel $0xFFFF  }
0xbf: {  	[dreg:$0x0] =	wrdreg $0xFFFFFFFF;
	(pc) =	sbr.abs _section_cstart, $3  }
0xc0: {  	[dreg:$0x1] =	wrdreg $0xFFFFFFFF  }
0xc1: {  	_ =	task.clear_ibuf [dreg:s7], $0x2FFFF;
	_ =	strace $0x9FFFFFFF  }
0xc2: {  	(tm) =	ssettm $0x7FFFFFFF  }
0xc3: {  	_ =	shalt  }
tec
execute0_lowered:
.L_overlay_start_1:
0x0: {  	(tag) =	ssettag $0x1  }
0x1: {  	s2 =	rddreg [dreg:$0x0]  }
0x2: {  	s0 =	stileid.u32;
	s1 =	srdreg.scid  }
0x3: {  	s3 =	rddreg [dreg:$0x1];
	s8 =	simm.s32 $0x1;
	s9 =	simm.s32 $0x3  }
0x4: {  	s10 =	simm.s32 $0x0;
	s4 =	sand.u32 $0x1, s1;
	s5 =	sshll.u32 s0, $0x1  }
0x5: {  	s13 =	simm.s32 $0x0;
	s12 =	simm.s32 $0x0;
	s6 =	sor.u32 s5, s4  }
0x6: {  	s1 =	rddreg [dreg:$0x2];
	_ =	strace $0x80000053;
	s4 =	smul.u32 $0xA0, s6  }
0x7: {  	s5 =	simm.s32 $0x1;
	p0 =	slt.u32 s6, $0x13;
	s6 =	simm.s32 $0x1400  }
.Ltmp0:
0x8: {  	s6 =	simm.s32 @!p0 $0x0;
	s7 =	ssub.s32 $0x1F40, s4;
	(pc) =	sbr.rel .LBB2_1-.Ltmp0, $4  }
0x9: {  	s8 =	simm.s32 @!p0 $0x0;
	p0 =	sne.s32 s7, s6;
	s7 =	simm.s32 $0x1  }
0xa: {  	[sflag:s5] =	ssyncpa.u1 $0x0;
	s6 =	simm.s32 $0x2;
	s7 =	simm.s32 @!p0 $0x0  }
0xb: {  	s11 =	smov.u32 s4;
	[sflag:s6] =	ssyncpa.u1 $0x0;
	s7 =	sadd.s32 s8, s7  }
0xc: {  	vm0 =	vmmov $0xffff;
	s8 =	sadd.s32 $0x800, s3;
	[sflag:s9] =	ssyncpa.u1 $0x0;
	s9 =	sadd.s32 $0x1, s7  }
.LBB2_4:
0xd: {  	v5 =	vld.msk [tilespmem:s18+$0x0 ss:$0x1], $0xffff  }
0xe: {  	v6 =	vand.u32 $0x7, v1;
	v7 =	vshrl.u32 v1, $0x3  }
0xf: {  	v3 =	vor.u32 v4, v3;
	vm1 =	veq.s32 v1, $0x80000000;
	v53 =	vand.u32 $0x3FF, v7  }
0x10: {  	v2 =	vor.u32 v2, v3;
	v54 =	vsel vm1, $0xFFFFFFFF, v6;
	v1 =	vsel vm1, $0xFFFFFFFF, v53  }
0x11: {  	v6 =	vshll.u32 v54, $0x7;
	v3 =	vand.u32 $0xFFFFE000, v54;
	v55 =	vand.u32 $0x7F, v1  }
0x12: {  	v1 =	vshll.u32 v1, $0x3;
	v6 =	vand.u32 $0x380, v6;
	v56 =	vshrl.u32 v5, $0x3  }
0x13: {  	v1 =	vand.u32 $0xFFFFFC00, v1;
	vm1 =	veq.s32 v5, $0x80000000;
	v57 =	vand.u32 $0x3FF, v56  }
0x14: {  	v1 =	vadd.s32 v3, v1;
	v5 =	vand.u32 $0x7, v5;
	v3 =	vsel vm1, $0xFFFFFFFF, v57  }
0x15: {  	v1 =	vor.u32 v6, v1;
	v5 =	vsel vm1, $0xFFFFFFFF, v5;
	v58 =	vshll.u32 v3, $0x3  }
0x16: {  	v59 =	vshll.u32 v5, $0x7;
	v5 =	vand.u32 $0xFFFFE000, v5;
	v6 =	vand.u32 $0xFFFFFC00, v58  }
0x17: {  	v1 =	vor.u32 v55, v1;
	v61 =	vand.u32 $0x380, v59;
	v60 =	vadd.s32 v5, v6  }
0x18: {  	[tilespmem:s16], [sflag:$0x1] =	stream.indirect_vreg.gather [hbm4b:s2+s10], $0x1, v0, vm0, $0x4038;
	v62 =	vand.u32 $0x7F, v3;
	v63 =	vor.u32 v61, v60;
	[tilespmem:$0x280] =	vst v63  }
0x19: {  	(ifvalue) =	ssetifvalue $0x7FFFFFFF;
	v0 =	vor.u32 v62, v63  }
0x1a: {  	[tilespmem:s15], [sflag:$0x1] =	stream.indirect_vreg.gather [hbm4b:s2+s10], $0x1, v2, vm0, $0x4038;
	[tilespmem:$0x280] =	vst v63  }
0x1b: {  	s29 =	sadd.s32 $0x10, s15;
	(ifvalue) =	ssetifvalue $0x7FFFFFFF  }
0x1c: {  	[tilespmem:s29], [sflag:$0x1] =	stream.indirect_vreg.gather [hbm4b:s2+s10], $0x1, v1, vm0, $0x4038;
	[tilespmem:$0x280] =	vst v63  }
0x1d: {  	s15 =	sadd.s32 $0x10, s29;
	(ifvalue) =	ssetifvalue $0x7FFFFFFF  }
0x1e: {  	[tilespmem:s15], [sflag:$0x1] =	stream.indirect_vreg.gather [hbm4b:s2+s10], $0x1, v0, vm0, $0x4038;
	[tilespmem:$0x280] =	vst v63  }
0x1f: {  	_ =	swait.ge [sflag:s5], $0xA0  }
0x20: {  	s30 =	sshrl.u32 s13, $0x3;
	[sflag:s5] =	ssyncset.done $0x0  }
0x21: {  	s31 =	sand.u32 $0x7, s13;
	s15 =	sadd.s32 s8, s30;
	[sflag:s5] =	ssyncadd.s32 $0xFFFFFF60  }
0x22: {  	[hbm4b:s15+s31] =	stream.linear.scatter [tilespmem:s14], [sflag:$0x3], $0xA0, $0x38;
	[tilespmem:$0x280] =	vst v63  }
.LBB2_5:
0x23: {  	s15 =	sadd.s32 $0x1400, s11  }
0x24: {  	p1 =	sgt.s32 s15, $0x1F3F  }
0x25: {  	s15 =	smov.u32 @p1 s4;
	p1 =	sne.s32 s12, s9  }
.Ltmp1:
0x26: {  	p0 =	slt.u32 s12, $0x2;
	(pc) =	sbr.rel @!p1 .LBB2_6-.Ltmp1, $4  }
0x27: {  	s14 =	simm.s32 @!p0 $0x3  }
0x28: {  	_ =	swait.ge @!p0 [sflag:s14], $0xA0  }
0x29: {  	s16 =	sadd.s32 $0x1, s12;
	s13 =	smov.u32 s11;
	[sflag:s14] =	ssyncset.done @!p0 $0x0  }
0x2a: {  	s12 =	smov.u32 s16;
	s11 =	smov.u32 s15;
	[sflag:s14] =	ssyncadd.s32 @!p0 $0xFFFFFF60  }
.LBB2_1:
0x2b: {  	p0 =	sge.u32 s12, s7  }
0x2c: {  	s14 =	sxor.u32 @!p0 $0x1, s12  }
0x2d: {  	s14 =	smul.u32 @!p0 $0x280, s14  }
0x2e: {  	s31 =	sadd.s32 $0xFFFFFFFF, s12;
	s15 =	sshrl.u32 @!p0 s11, $0x3  }
0x2f: {  	s16 =	sand.u32 @!p0 $0x7, s11;
	s15 =	sadd.s32 @!p0 s3, s15;
	s14 =	sshra.s32 @!p0 s14, $0x2  }
0x30: {  	[tilespmem:s14], [sflag:$0x2] =	stream.linear.gather @!p0 [hbm4b:s15+s16], $0xA0, $0x38;
	[tilespmem:$0x280] =	vst v63  }
0x31: {  	p0 =	sge.u32 s31, s7  }
.Ltmp2:
0x32: {  	_ = 	snop;
	(pc) =	sbr.rel @p0 .LBB2_5-.Ltmp2, $1  }
0x33: {  	_ =	sdelay $0x3  }
0x34: {  	s14 =	sand.u32 $0x1, s12  }
0x35: {  	_ =	swait.ge [sflag:s6], $0xA0;
	p0 =	seq.s32 s14, $0x1;
	s14 =	simm.s32 $0xA0  }
0x36: {  	[sflag:s6] =	ssyncset.done $0x0;
	s14 =	simm.s32 @!p0 $0x0  }
0x37: {  	[sflag:s6] =	ssyncadd.s32 $0xFFFFFF60;
	(ifvalue) =	ssetifvalue $0x7FFFFFFF;
	v0 =	vld.msk [tilespmem:s14+$0x0 ss:$0x1], $0xffff;
	_ =	sdelay $0x4  }
0x38: {  	s15 =	sadd.s32 $0x10, s14;
	v2 =	vshrl.u32 v0, $0x3  }
0x39: {  	v1 =	vld.msk [tilespmem:s15+$0x0 ss:$0x1], $0xffff;
	vm1 =	veq.s32 v0, $0x80000000;
	v2 =	vand.u32 $0x3FF, v2  }
0x3a: {  	v0 =	vand.u32 $0x7, v0;
	v2 =	vsel vm1, $0xFFFFFFFF, v2  }
0x3b: {  	v0 =	vsel vm1, $0xFFFFFFFF, v0;
	v3 =	vshll.u32 v2, $0x3  }
0x3c: {  	v4 =	vand.u32 $0xFFFFE000, v0;
	v0 =	vshll.u32 v0, $0x7;
	v3 =	vand.u32 $0xFFFFFC00, v3  }
0x3d: {  	v0 =	vand.u32 $0x380, v0;
	v3 =	vadd.s32 v4, v3  }
0x3e: {  	v2 =	vand.u32 $0x7F, v2;
	v4 =	vshrl.u32 v1, $0x3;
	v0 =	vor.u32 v0, v3  }
0x3f: {  	vm1 =	veq.s32 v1, $0x80000000;
	v4 =	vand.u32 $0x3FF, v4;
	v0 =	vor.u32 v2, v0  }
0x40: {  	s15 =	sadd.s32 $0x10, s15;
	v1 =	vand.u32 $0x7, v1;
	v3 =	vsel vm1, $0xFFFFFFFF, v4  }
0x41: {  	s14 =	sor.u32 $0x140, s14;
	v2 =	vsel vm1, $0xFFFFFFFF, v1;
	v1 =	vld.msk [tilespmem:s15+$0x0 ss:$0x1], $0xffff;
	v4 =	vshll.u32 v3, $0x3  }
0x42: {  	s17 =	simm.s32 $0x30;
	s16 =	smov.u32 s14;
	v5 =	vshll.u32 v2, $0x7;
	v6 =	vand.u32 $0xFFFFE000, v2;
	v4 =	vand.u32 $0xFFFFFC00, v4  }
0x43: {  	s18 =	sadd.s32 $0x10, s15;
	(ifvalue) =	ssetifvalue $0x7FFFFFFF;
	s15 =	sadd.s32 $0x10, s14;
	v2 =	vand.u32 $0x7F, v3;
	v3 =	vadd.s32 v6, v4;
	v4 =	vand.u32 $0x380, v5  }
.LBB2_3:
0x44: {  	[tilespmem:s16], [sflag:$0x1] =	stream.indirect_vreg.gather [hbm4b:s2+s10], $0x1, v0, vm0, $0x4038;
	[tilespmem:$0x280] =	vst v63  }
0x45: {  	s17 =	sadd.s32 $0x10, s17  }
0x46: {  	v5 =	vand.u32 $0x7, v1;
	v6 =	vshrl.u32 v1, $0x3;
	v3 =	vor.u32 v4, v3;
	v0 =	vmovc v1;
	v1 =	vld.msk [tilespmem:s18+$0x0 ss:$0x1], $0xffff;
	p0 =	slt.u32 s17, $0x90  }
.Ltmp3:
0x47: {  	s16 =	smov.u32 s15;
	vm1 =	veq.s32 v0, $0x80000000;
	v4 =	vand.u32 $0x3FF, v6;
	v0 =	vor.u32 v2, v3;
	(pc) =	sbr.rel @p0 .LBB2_3-.Ltmp3, $4  }
0x48: {  	v3 =	vsel vm1, $0xFFFFFFFF, v5;
	v4 =	vsel vm1, $0xFFFFFFFF, v4  }
0x49: {  	v2 =	vand.u32 $0x7F, v4;
	v4 =	vshll.u32 v4, $0x3;
	v5 =	vshll.u32 v3, $0x7  }
0x4a: {  	v3 =	vand.u32 $0xFFFFE000, v3;
	v4 =	vand.u32 $0xFFFFFC00, v4  }
0x4b: {  	s18 =	sadd.s32 $0x10, s18;
	s15 =	sadd.s32 $0x10, s15;
	v3 =	vadd.s32 v3, v4;
	v4 =	vand.u32 $0x380, v5;
	(ifvalue) =	ssetifvalue $0x7FFFFFFF  }
.Ltmp4:
0x4c: {  	_ = 	snop;
	(pc) =	sbr.rel .LBB2_4-.Ltmp4, $1  }
0x4d: {  	_ =	sdelay $0x3  }
.LBB2_6:
0x4e: {  	_ =	sfence.sel $0x180000  }
0x4f: {  	s2 =	simm.s32 $0x2;
	[bflag:$0x0] =	sbarrier.arrive $0xFFFF  }
0x50: {  	s30 =	simm.s32 $0x3;
	[sflag:s2] =	ssyncpa.u1 $0x1  }
0x51: {  	s31 =	simm.s32 $0x1;
	[sflag:s30] =	ssyncpa.u1 $0x1  }
0x52: {  	[sflag:s31] =	ssyncpa.u1 $0x1  }
0x53: {  	p0 =	sne.s32 s0, $0x0;
	_ =	strace $0x90000053  }
0x54: {  	s0 =	sadd.s32 @!p0 $0x100000, s1;
	[bflag:$0x2] =	sbarrier.arrive $0xFFFF  }
0x55: {  	[sflag:s0] =	ssyncadd.tile.s32 @!p0 $0x1;
	_ =	shalt  }
.Lfunc_end2:
_tile_overlayer_lowered:
.L_overlay_start_2:
0x56: {  	(tag) =	ssettag $0x2  }
0x57: {  	s0 =	rddreg [dreg:$0x0];
	s2 =	stileid.u32  }
0x58: {  	s1 =	rddreg [dreg:$0x1];
	p0 =	sne.s32 s2, $0x0  }
0x59: {  	s3 =	rddreg [dreg:$0x2];
	[bflag:$0x3] =	sbarrier.arrive $0xFFFF;
	s2 =	simm.s32 @!p0 $0x1C01  }
0x5a: {  	[timem:s3], [sflag:s2] =	dma.local @!p0 [hbm:s0], s1  }
0x5b: {  	s0 =	simm.s32 @!p0 $0x1  }
0x5c: {  	_ =	swait.ge @!p0 [sflag:s0], s1  }
0x5d: {  	s1 =	ssub.s32 @!p0 $0x0, s1;
	[sflag:s0] =	ssyncset.done @!p0 $0x0  }
0x5e: {  	[sflag:s0] =	ssyncadd.s32 @!p0 s1  }
0x5f: {  	[bflag:$0x3] =	sbarrier.arrive $0xFFFF  }
0x60: {  	_ =	shalt  }

// kernel: gather_offload_async_start.5
scs
__scs_entry_jumppad:
0x0: {  	(pc) =	sbr.rel $0x88, $3  }
0x1: {  	(tag) =	ssettag $0x0;
	lr =	simm.s32 $0x1  }
0x2: {  	[smem:$0x3F9D] =	sst lr;
	_ =	strace $0xD0000000  }
0x3: {  	_ = 	snop  }
0x4: {  	_ = 	snop  }
0x5: {  	_ = 	snop  }
0x6: {  	_ = 	snop  }
0x7: {  	_ = 	snop  }
__scs_overlays_trampoline_lowered:
0x8: {  	[smem:$0x3FAC] =	sst s0  }
0x9: {  	[smem:$0x3FAD] =	sst s1  }
0xa: {  	[smem:$0x3FAE] =	sst s2  }
0xb: {  	[smem:$0x3FAF] =	sst s3  }
0xc: {  	[smem:$0x3FB0] =	sst s4  }
0xd: {  	[smem:$0x3FB1] =	sst s5  }
0xe: {  	[smem:$0x3FB2] =	sst s6  }
0xf: {  	[smem:$0x3FB3] =	sst s7  }
0x10: {  	[smem:$0x3FB4] =	sst s8  }
0x11: {  	[smem:$0x3FB5] =	sst s9;
	s0 =	simm.s32 @!p0 $0x0  }
0x12: {  	s1 =	sld [smem:$0x3F9B];
	s0 =	simm.s32 @p0 $0x1  }
0x13: {  	[smem:$0x3FB6] =	sst s0;
	s0 =	simm.s32 @!p1 $0x0  }
0x14: {  	s2 =	sld [smem:$0x3F9A];
	s0 =	simm.s32 @p1 $0x1  }
0x15: {  	[smem:$0x3FB7] =	sst s0;
	s0 =	simm.s32 @!p2 $0x0  }
0x16: {  	s3 =	sld [smem:$0x3FDB];
	s0 =	simm.s32 @p2 $0x1  }
0x17: {  	s4 =	simm.s32 $0x1BF5;
	[smem:$0x3FB9] =	sst s0  }
0x18: {  	s0 =	sld [smem:$0x3F9C];
	_ =	swait.ge [sflag:s4], $0x0  }
0x19: {  	s7 =	sld [smem:$0x3F9D]  }
0x1a: {  	s8 =	sadd.s32 $0xFFFFE003, lr  }
0x1b: {  	s9 =	sadd.s32 $0xFFFFFEF7, lr;
	s5 =	simm.s32 $0xFFFFFFFF;
	p2 =	slt.u32 s8, $0xFFFFF086  }
0x1c: {  	p1 =	slt.u32 s9, $0xF7A;
	s5 =	simm.s32 @!p2 $0x0  }
0x1d: {  	s5 =	simm.s32 @p1 $0x1;
	p0 =	seq.s32 s7, s2  }
0x1e: {  	s7 =	smul.u32 @!p0 $0xF7A, s2;
	p2 =	seq.s32 @!p0 s5, $0x0  }
0x1f: {  	s9 =	smul.u32 $0xF7A, s1;
	s8 =	simm.s32 @!p0 $0x1BF5;
	p2 =	por !p2, p0  }
0x20: {  	[sflag:s8] =	ssyncset.s32 @!p0 $0xFFFFF086;
	s6 =	sadd.s32 @!p0 s3, s7;
	s7 =	simm.s32 @!p0 $0x108  }
0x21: {  	s3 =	sadd.s32 s3, s9;
	s6 =	sadd.s32 @!p0 $0x88, s6;
	s7 =	simm.s32 @p2 $0x1082  }
0x22: {  	[simem:s7], [sflag:s8] =	dma.local @!p0 [hbm:s6], $0xF7A  }
0x23: {  	s9 =	sor.u32 $0xD0000000, s2;
	s6 =	simm.s32 $0x108;
	_ =	swait.ge @!p0 [sflag:s8], $0x0  }
0x24: {  	s3 =	sadd.s32 $0x88, s3;
	s6 =	simm.s32 @!p1 $0x1082;
	[sflag:s4] =	ssyncset.s32 $0xFFFFF086  }
0x25: {  	[simem:s6], [sflag:s4] =	dma.local [hbm:s3], $0xF7A  }
0x26: {  	[smem:$0x3F9D] =	sst s1;
	(tag) =	ssettag s2;
	_ =	strace s9  }
0x27: {  	s1 =	sld [smem:$0x3FAD]  }
0x28: {  	s2 =	sld [smem:$0x3FAE]  }
0x29: {  	s4 =	sld [smem:$0x3FB0]  }
0x2a: {  	p0 =	seq.s32 s5, $0x0;
	s5 =	sld [smem:$0x3FB1]  }
0x2b: {  	s6 =	sld [smem:$0x3FB2]  }
0x2c: {  	s7 =	sld [smem:$0x3FB3]  }
0x2d: {  	s3 =	simm.s32 $0x108;
	s8 =	sld [smem:$0x3FB4]  }
0x2e: {  	s3 =	simm.s32 @!p0 $0x1082;
	s9 =	sld [smem:$0x3FB5]  }
0x2f: {  	lr =	sadd.s32 s0, s3;
	s0 =	sld [smem:$0x3FAC]  }
0x30: {  	s3 =	sld [smem:$0x3FAF]  }
0x31: {  	[smem:$0x3FB8] =	sst s10  }
0x32: {  	s10 =	sld [smem:$0x3FB6];
	_ =	sdelay $0x3  }
0x33: {  	p0 =	seq.s32 s10, $0x1;
	s10 =	sld [smem:$0x3FB8];
	_ =	sdelay $0x3  }
0x34: {  	[smem:$0x3FB8] =	sst s10  }
0x35: {  	s10 =	sld [smem:$0x3FB7];
	_ =	sdelay $0x3  }
0x36: {  	p1 =	seq.s32 s10, $0x1;
	s10 =	sld [smem:$0x3FB8];
	_ =	sdelay $0x3  }
0x37: {  	[smem:$0x3FB8] =	sst s10  }
0x38: {  	s10 =	sld [smem:$0x3FB9]  }
0x39: {  	_ = 	snop;
	(pc) =	sbr.ind lr, $3  }
0x3a: {  	_ = 	snop  }
0x3b: {  	_ = 	snop  }
0x3c: {  	p2 =	seq.s32 s10, $0x1;
	s10 =	sld [smem:$0x3FB8]  }
0x3d: {  	_ =	shalt  }
0x3e: {  	_ =	shalt  }
0x3f: {  	_ =	shalt  }
0x40: {  	_ =	shalt  }
0x41: {  	_ =	shalt  }
0x42: {  	_ =	shalt  }
0x43: {  	_ =	shalt  }
0x44: {  	_ =	shalt  }
0x45: {  	_ =	shalt  }
0x46: {  	_ =	shalt  }
0x47: {  	_ =	shalt  }
0x48: {  	_ =	shalt  }
0x49: {  	_ =	shalt  }
0x4a: {  	_ =	shalt  }
0x4b: {  	_ =	shalt  }
0x4c: {  	_ =	shalt  }
0x4d: {  	_ =	shalt  }
0x4e: {  	_ =	shalt  }
0x4f: {  	_ =	shalt  }
0x50: {  	_ =	shalt  }
0x51: {  	_ =	shalt  }
0x52: {  	_ =	shalt  }
0x53: {  	_ =	shalt  }
0x54: {  	_ =	shalt  }
0x55: {  	_ =	shalt  }
0x56: {  	_ =	shalt  }
0x57: {  	_ =	shalt  }
0x58: {  	_ =	shalt  }
0x59: {  	_ =	shalt  }
0x5a: {  	_ =	shalt  }
0x5b: {  	_ =	shalt  }
0x5c: {  	_ =	shalt  }
0x5d: {  	_ =	shalt  }
0x5e: {  	_ =	shalt  }
0x5f: {  	_ =	shalt  }
0x60: {  	_ =	shalt  }
0x61: {  	_ =	shalt  }
0x62: {  	_ =	shalt  }
0x63: {  	_ =	shalt  }
0x64: {  	_ =	shalt  }
0x65: {  	_ =	shalt  }
0x66: {  	_ =	shalt  }
0x67: {  	_ =	shalt  }
0x68: {  	_ =	shalt  }
0x69: {  	_ =	shalt  }
0x6a: {  	_ =	shalt  }
0x6b: {  	_ =	shalt  }
0x6c: {  	_ =	shalt  }
0x6d: {  	_ =	shalt  }
0x6e: {  	_ =	shalt  }
0x6f: {  	_ =	shalt  }
0x70: {  	_ =	shalt  }
0x71: {  	_ =	shalt  }
0x72: {  	_ =	shalt  }
0x73: {  	_ =	shalt  }
0x74: {  	_ =	shalt  }
0x75: {  	_ =	shalt  }
0x76: {  	_ =	shalt  }
0x77: {  	_ =	shalt  }
0x78: {  	_ =	shalt  }
0x79: {  	_ =	shalt  }
0x7a: {  	_ =	shalt  }
0x7b: {  	_ =	shalt  }
0x7c: {  	_ =	shalt  }
0x7d: {  	_ =	shalt  }
0x7e: {  	_ =	shalt  }
0x7f: {  	_ =	shalt  }
0x80: {  	_ =	shalt  }
0x81: {  	_ =	shalt  }
0x82: {  	_ =	shalt  }
0x83: {  	_ =	shalt  }
0x84: {  	_ =	shalt  }
0x85: {  	_ =	shalt  }
0x86: {  	_ =	shalt  }
0x87: {  	_ =	shalt  }
.Lfunc_end0:
.L_simem_size_0:
called_computation.5_lowered:
.L_overlay_start_0:
0x88: {  	s2 =	sld [smem:$0x3FD9]  }
0x89: {  	s3 =	sld [smem:$0x3FFE];
	_ =	sdelay $0x1  }
0x8a: {  	s1 =	srdreg.scid  }
0x8b: {  	s0 =	sand.u32 $0x1, s1  }
0x8c: {  	s16 =	sshll.u32 s0, $0xA;
	s2 =	sadd.s32 s3, s2  }
0x8d: {  	s2 =	sadd.s32 s2, s16  }
0x8e: {  	[smem:$0x3FC4] =	sst s2  }
0x8f: {  	_ = 	snop  }
0x90: {  	(tm) =	ssettm $0x1  }
0x91: {  	s17 =	sld [smem:$0x3FFB];
	_ =	sdelay $0x3  }
0x92: {  	_ =	strace s17  }
0x93: {  	s2 =	sld [smem:$0x3FFC];
	_ =	sdelay $0x3  }
0x94: {  	_ =	strace s2  }
0x95: {  	s2 =	sld [smem:$0x3FFD];
	_ =	sdelay $0x3  }
0x96: {  	_ =	strace s2  }
0x97: {  	_ =	strace $0x8FFFFFFF  }
0x98: {  	s18 =	sld [smem:$0x3FDB];
	_ =	sdelay $0x1  }
0x99: {  	s19 =	simm.s32 $_scs_section_size  }
0x9a: {  	s4 =	simm.s32 $_size__tile_overlayer_lowered;
	s5 =	simm.s32 $_tile_overlayer_lowered  }
0x9b: {  	s22 =	simm.s32 $0x1BFF;
	s21 =	sshll.u32 s5, $0x1;
	s2 =	sadd.s32 s19, s18  }
0x9c: {  	s6 =	simm.s32 $0x0;
	s20 =	sshll.u32 s4, $0x1;
	s4 =	sadd.s32 s21, s2  }
0x9d: {  	[timem:s6], [sflag:s22] =	dma.local [hbm:s4], s20  }
0x9e: {  	_ =	swait.ge [sflag:s22], s20  }
0x9f: {  	s3 =	ssub.s32 $0x0, s20;
	[sflag:s22] =	ssyncset.done $0x0  }
0xa0: {  	[sflag:s22] =	ssyncadd.s32 s3;
	_ =	sdelay $0x1  }
0xa1: {  	s23 =	simm.s32 $0x1B8B  }
0xa2: {  	_ =	swait.ge [sflag:s23], $0x1  }
0xa3: {  	[sflag:s23] =	ssyncset.done $0x0  }
0xa4: {  	s25 =	simm.s32 $0x1B8E;
	s24 =	sld [smem:$0x3FFE];
	[sflag:s23] =	ssyncadd.s32 $0xFFFFFFFF  }
0xa5: {  	s26 =	simm.s32 $execute0_lowered;
	[smem:$0x3FD2] =	sst s25  }
0xa6: {  	s4 =	sshll.u32 s26, $0x1;
	_ =	strace $0x80000055;
	[dreg:$0x1] =	wrdreg $0xFFFFFFFF  }
0xa7: {  	s28 =	simm.s32 $_size_execute0_lowered;
	s2 =	sadd.s32 s2, s4;
	[dreg:$0x0] =	wrdreg $0x0  }
0xa8: {  	s4 =	sshll.u32 s28, $0x1;
	[dreg:$0x2] =	wrdreg s2  }
0xa9: {  	[dreg:$0x3] =	wrdreg s4  }
0xaa: {  	[dreg:$0x4] =	wrdreg $0xC0  }
0xab: {  	_ =	task [dreg:s6], $0x5FFFF  }
0xac: {  	[dreg:$0x1] =	wrdreg $0xFFFFFFFF  }
0xad: {  	[dreg:$0x0] =	wrdreg $0x60  }
0xae: {  	[dreg:$0x2] =	wrdreg s24  }
0xaf: {  	[dreg:$0x3] =	wrdreg $0x9  }
0xb0: {  	_ =	task.clear_ibuf [dreg:s6], $0x4FFFF;
	_ =	strace $0x90000055  }
0xb1: {  	s29 =	simm.s32 $0x9;
	_ =	strace $0x80000057  }
0xb2: {  	_ =	swait.ge [sflag:s29], $0x1  }
0xb3: {  	[sflag:s29] =	ssyncadd.s32 $0xFFFFFFFF  }
0xb4: {  	_ =	strace $0x90000057  }
0xb5: {  	_ =	sfence  }
0xb6: {  	s30 =	sld [smem:$0x0];
	_ =	sdelay $0x2  }
0xb7: {  	s31 =	sshll.u32 s1, $0xD;
	s1 =	sshrl.u32 s1, $0x2  }
0xb8: {  	s3 =	sand.u32 $0x4000, s31;
	s1 =	sadd.s32 s1, s30  }
0xb9: {  	s0 =	sor.u32 s3, s0;
	s1 =	sshll.u32 s1, $0x11  }
0xba: {  	s0 =	sor.u32 s1, s0  }
0xbb: {  	s0 =	sadd.s32 $0x8F2B, s0  }
0xbc: {  	[sflag:s0] =	ssyncadd.remote.s32 $0x1  }
0xbd: {  	_ =	sfence.sel $0xFFFF  }
0xbe: {  	[dreg:$0x0] =	wrdreg $0xFFFFFFFF;
	(pc) =	sbr.abs _section_cstart, $3  }
0xbf: {  	[dreg:$0x1] =	wrdreg $0xFFFFFFFF  }
0xc0: {  	_ =	task.clear_ibuf [dreg:s6], $0x2FFFF;
	_ =	strace $0x9FFFFFFF  }
0xc1: {  	(tm) =	ssettm $0x7FFFFFFF  }
tec
execute0_lowered:
.L_overlay_start_1:
0x0: {  	(tag) =	ssettag $0x1  }
0x1: {  	s0 =	srdreg.scid  }
0x2: {  	s1 =	sshll.u32 s0, $0x4  }
0x3: {  	s0 =	stileid.u32;
	s1 =	sand.u32 $0x10, s1  }
0x4: {  	s1 =	sor.u32 s0, s1  }
0x5: {  	s2 =	smin.u32 s1, $0x12  }
0x6: {  	s2 =	sadd.s32 s1, s2  }
0x7: {  	p0 =	slt.u32 s1, $0x12;
	s1 =	simm.s32 $0x140;
	s2 =	smul.u32 $0xA0, s2  }
0x8: {  	s1 =	simm.s32 @!p0 $0xA0  }
0x9: {  	s1 =	sadd.s32 s1, s2  }
0xa: {  	s3 =	smin.u32 s1, $0x1F40  }
0xb: {  	s7 =	ssub.s32 s3, s2  }
0xc: {  	p0 =	sgt.s32 s7, $0x0  }
0xd: {  	s7 =	simm.s32 @!p0 $0x0  }
0xe: {  	s31 =	smul.u32 $0xCCCD, s7  }
0xf: {  	s4 =	rddreg [dreg:$0x0];
	s6 =	simm.s32 $0x1  }
0x10: {  	s10 =	simm.s32 $0x3;
	s13 =	simm.s32 $0x0;
	s8 =	sshrl.u32 s31, $0x17  }
0x11: {  	s12 =	simm.s32 $0x0;
	s5 =	sadd.s32 $0x20C00, s4;
	s9 =	smul.u32 $0xA0, s8  }
.Ltmp0:
0x12: {  	s11 =	smov.u32 s2;
	s1 =	rddreg [dreg:$0x1];
	(pc) =	sbr.rel .LBB2_1-.Ltmp0, $4  }
0x13: {  	_ =	strace $0x80000056;
	p0 =	sne.s32 s7, s9;
	s9 =	simm.s32 $0x1  }
0x14: {  	[sflag:s6] =	ssyncpa.u1 $0x0;
	s7 =	simm.s32 $0x2;
	s9 =	simm.s32 @!p0 $0x0  }
0x15: {  	[sflag:s7] =	ssyncpa.u1 $0x0;
	p0 =	por $0x0, $0x0;
	s8 =	sadd.s32 s8, s9  }
0x16: {  	vm0 =	vmmov $0xff;
	vm1 =	vcmask $0x3F20;
	s9 =	sadd.s32 $0xC00, s4;
	[sflag:s10] =	ssyncpa.u1 $0x0;
	s10 =	sadd.s32 $0x1, s8  }
.LBB2_6:
0x17: {  	[hbm:s17] =	stream.linear.scatter [tilespmem:s14], [sflag:$0x3], $0x400, $0x38;
	[tilespmem:$0xA140] =	vst v63  }
.LBB2_7:
0x18: {  	s13 =	sadd.s32 $0xA0, s11  }
0x19: {  	s15 =	smov.u32 s2;
	p2 =	slt.s32 s13, s3  }
0x1a: {  	s15 =	smov.u32 @p2 s13;
	p2 =	sne.s32 s12, s10  }
.Ltmp1:
0x1b: {  	p1 =	slt.u32 s12, $0x2;
	(pc) =	sbr.rel @!p2 .LBB2_8-.Ltmp1, $4  }
0x1c: {  	s14 =	simm.s32 @!p1 $0x3  }
0x1d: {  	s16 =	sadd.s32 $0x1, s12;
	_ =	swait.ge @!p1 [sflag:s14], $0x5000  }
0x1e: {  	p0 =	por !p0, !p0;
	s13 =	smov.u32 s11;
	[sflag:s14] =	ssyncset.done @!p1 $0x0  }
0x1f: {  	s12 =	smov.u32 s16;
	s11 =	smov.u32 s15;
	[sflag:s14] =	ssyncadd.s32 @!p1 $0xFFFFB000  }
.LBB2_1:
0x20: {  	p1 =	sge.u32 s12, s8  }
0x21: {  	s14 =	sxor.u32 @!p1 $0xFFFFFFFF, s12  }
0x22: {  	s14 =	sand.u32 @!p1 $0x1, s14  }
0x23: {  	s14 =	smul.u32 @!p1 $0x280, s14  }
0x24: {  	s31 =	sadd.s32 $0xFFFFFFFF, s12;
	s15 =	sshrl.u32 @!p1 s11, $0x3  }
0x25: {  	s16 =	sand.u32 @!p1 $0x7, s11;
	s15 =	sadd.s32 @!p1 s4, s15;
	s14 =	sshrl.u32 @!p1 s14, $0x2  }
0x26: {  	[tilespmem:s14], [sflag:$0x2] =	stream.linear.gather @!p1 [hbm4b:s15+s16], $0xA0, $0x38;
	[tilespmem:$0xA140] =	vst v63  }
0x27: {  	p1 =	sge.u32 s31, s8  }
.Ltmp2:
0x28: {  	_ = 	snop;
	(pc) =	sbr.rel @p1 .LBB2_7-.Ltmp2, $1  }
0x29: {  	_ =	sdelay $0x3  }
0x2a: {  	s14 =	simm.s32 $0x1  }
0x2b: {  	s14 =	simm.s32 @!p0 $0x0  }
0x2c: {  	s15 =	smul.u32 $0x280, s14  }
0x2d: {  	_ =	swait.ge [sflag:s7], $0xA0  }
0x2e: {  	[sflag:s7] =	ssyncset.done $0x0;
	s16 =	sshrl.u32 s15, $0x2  }
0x2f: {  	[sflag:s7] =	ssyncadd.s32 $0xFFFFFF60;
	s15 =	sadd.s32 $0x0, s16  }
0x30: {  	v0 =	vld.msk [tilespmem:s15+$0x0 ss:$0x1], $0xffff;
	_ =	sdelay $0x4  }
0x31: {  	v1 =	vand.u32 $0x7, v0;
	v2 =	vshll.u32 v0, $0x4  }
0x32: {  	vm2 =	veq.s32 v0, $0x80000000;
	v0 =	vmul.u32 $0x1F400, v1;
	v1 =	vand.u32 $0x1FF80, v2  }
0x33: {  	v1 =	vsel vm2, $0xFFFFFF80, v1  }
0x34: {  	v0 =	vsel vm2, $0xFFFE0C00, v0;
	v2 =	vand.u32 $0xFFFFFC00, v1  }
0x35: {  	v1 =	vand.u32 $0x380, v1;
	v0 =	vadd.s32 v0, v2  }
0x36: {  	v0 =	vor.u32 v1, v0  }
0x37: {  	v0 =	vshrl.u32 v0, $0x3  }
0x38: {  	s14 =	smul.u32 $0x14000, s14;
	_ =	sdelay $0x1  }
0x39: {  	s14 =	sshrl.u32 s14, $0x2  }
0x3a: {  	s14 =	sor.u32 $0x140, s14  }
0x3b: {  	[tilespmem:s14], [sflag:$0x1] =	stream.indirect_vreg.gather [hbm:s5], $0x80, v0, vm0, $0x38;
	[tilespmem:$0xA140] =	vst v63  }
0x3c: {  	s17 =	sadd.s32 $0x10, s16;
	s15 =	sadd.s32 $0x400, s14  }
0x3d: {  	[tilespmem:s15], [sflag:$0x1] =	stream.indirect_vreg.gather [hbm:s5], $0x80, v0, vm1, $0x38;
	[tilespmem:$0xA140] =	vst v63  }
0x3e: {  	s18 =	simm.s32 $0x80;
	v0 =	vld.msk [tilespmem:s17+$0x0 ss:$0x1], $0xffff;
	s17 =	smov.u32 s14  }
.LBB2_3:
0x3f: {  	p1 =	sne.s32 s18, $0x240;
	_ =	sdelay $0x4  }
0x40: {  	v1 =	vand.u32 $0x7, v0;
	v2 =	vshll.u32 v0, $0x4  }
0x41: {  	vm2 =	veq.s32 v0, $0x80000000;
	v0 =	vmul.u32 $0x1F400, v1;
	v1 =	vand.u32 $0x1FF80, v2  }
0x42: {  	v1 =	vsel vm2, $0xFFFFFF80, v1  }
0x43: {  	v0 =	vsel vm2, $0xFFFE0C00, v0;
	v2 =	vand.u32 $0xFFFFFC00, v1  }
0x44: {  	v1 =	vand.u32 $0x380, v1;
	v0 =	vadd.s32 v0, v2  }
0x45: {  	v0 =	vor.u32 v1, v0  }
0x46: {  	v0 =	vshrl.u32 v0, $0x3;
	_ =	sdelay $0x3  }
.Ltmp3:
0x47: {  	s19 =	sshra.s32 s18, $0x2;
	s17 =	sadd.s32 $0x800, s17;
	(pc) =	sbr.rel @p1 .LBB2_3-.Ltmp3, $4  }
0x48: {  	[tilespmem:s17], [sflag:$0x1] =	stream.indirect_vreg.gather [hbm:s5], $0x80, v0, vm0, $0x38;
	[tilespmem:$0xA140] =	vst v63  }
0x49: {  	s19 =	sadd.s32 s19, s16;
	s20 =	sadd.s32 $0x400, s17  }
0x4a: {  	[tilespmem:s20], [sflag:$0x1] =	stream.indirect_vreg.gather [hbm:s5], $0x80, v0, vm1, $0x38;
	[tilespmem:$0xA140] =	vst v63  }
0x4b: {  	s18 =	sadd.s32 $0x40, s18;
	v0 =	vld.msk [tilespmem:s19+$0x0 ss:$0x1], $0xffff  }
0x4c: {  	_ =	sdelay $0x3  }
0x4d: {  	v1 =	vand.u32 $0x7, v0;
	v2 =	vshll.u32 v0, $0x4  }
0x4e: {  	vm2 =	veq.s32 v0, $0x80000000;
	v61 =	vmul.u32 $0x1F400, v1;
	v62 =	vand.u32 $0x1FF80, v2  }
0x4f: {  	v1 =	vsel vm2, $0xFFFFFF80, v62  }
0x50: {  	v0 =	vsel vm2, $0xFFFE0C00, v61;
	v63 =	vand.u32 $0xFFFFFC00, v1  }
0x51: {  	v1 =	vand.u32 $0x380, v1;
	v0 =	vadd.s32 v0, v63  }
0x52: {  	v0 =	vor.u32 v1, v0  }
0x53: {  	v0 =	vshrl.u32 v0, $0x3;
	_ =	sdelay $0x3  }
0x54: {  	s16 =	sadd.s32 $0x800, s17  }
0x55: {  	[tilespmem:s16], [sflag:$0x1] =	stream.indirect_vreg.gather [hbm:s5], $0x80, v0, vm0, $0x38;
	[tilespmem:$0xA140] =	vst v63  }
0x56: {  	s16 =	sadd.s32 $0x400, s16  }
0x57: {  	[tilespmem:s16], [sflag:$0x1] =	stream.indirect_vreg.gather [hbm:s5], $0x80, v0, vm1, $0x38;
	[tilespmem:$0xA140] =	vst v63  }
0x58: {  	s13 =	sshll.u32 s13, $0x4;
	_ =	swait.ge [sflag:s6], $0x5000  }
0x59: {  	s13 =	sadd.s32 s13, s9;
	[sflag:s6] =	ssyncset.done $0x0  }
0x5a: {  	s17 =	sadd.s32 $0x0, s13;
	s16 =	simm.s32 $0x80;
	[sflag:s6] =	ssyncadd.s32 $0xFFFFB000  }
.LBB2_5:
0x5b: {  	[hbm:s17] =	stream.linear.scatter [tilespmem:s14], [sflag:$0x3], $0x400, $0x38;
	[tilespmem:$0xA140] =	vst v63  }
0x5c: {  	s17 =	smov.u32 s16;
	s14 =	smov.u32 s15;
	p1 =	sne.s32 s16, $0x980  }
.Ltmp4:
0x5d: {  	s16 =	sadd.s32 $0x80, s16;
	(pc) =	sbr.rel @p1 .LBB2_5-.Ltmp4, $2  }
0x5e: {  	_ =	sdelay $0x2  }
0x5f: {  	s15 =	sadd.s32 $0x400, s15;
	s17 =	sadd.s32 s17, s13  }
.Ltmp5:
0x60: {  	_ = 	snop;
	(pc) =	sbr.rel .LBB2_6-.Ltmp5, $1  }
0x61: {  	_ =	sdelay $0x3  }
.LBB2_8:
0x62: {  	_ =	sfence.sel $0x180000  }
0x63: {  	s2 =	simm.s32 $0x2;
	[bflag:$0x0] =	sbarrier.arrive $0xFFFF  }
0x64: {  	s30 =	simm.s32 $0x3;
	[sflag:s2] =	ssyncpa.u1 $0x1  }
0x65: {  	s31 =	simm.s32 $0x1;
	[sflag:s30] =	ssyncpa.u1 $0x1  }
0x66: {  	[sflag:s31] =	ssyncpa.u1 $0x1  }
0x67: {  	p0 =	sne.s32 s0, $0x0;
	_ =	strace $0x90000056  }
0x68: {  	s0 =	sadd.s32 @!p0 $0x100000, s1;
	[bflag:$0x2] =	sbarrier.arrive $0xFFFF  }
0x69: {  	[sflag:s0] =	ssyncadd.tile.s32 @!p0 $0x1;
	_ =	shalt  }
.Lfunc_end2:
_tile_overlayer_lowered:
.L_overlay_start_2:
0x6a: {  	(tag) =	ssettag $0x2  }
0x6b: {  	s0 =	rddreg [dreg:$0x0];
	s2 =	stileid.u32  }
0x6c: {  	s1 =	rddreg [dreg:$0x1];
	p0 =	sne.s32 s2, $0x0  }
0x6d: {  	s3 =	rddreg [dreg:$0x2];
	[bflag:$0x3] =	sbarrier.arrive $0xFFFF;
	s2 =	simm.s32 @!p0 $0x1C01  }
0x6e: {  	[timem:s3], [sflag:s2] =	dma.local @!p0 [hbm:s0], s1  }
0x6f: {  	s0 =	simm.s32 @!p0 $0x1  }
0x70: {  	_ =	swait.ge @!p0 [sflag:s0], s1  }
0x71: {  	s1 =	ssub.s32 @!p0 $0x0, s1;
	[sflag:s0] =	ssyncset.done @!p0 $0x0  }
0x72: {  	[sflag:s0] =	ssyncadd.s32 @!p0 s1  }
0x73: {  	[bflag:$0x3] =	sbarrier.arrive $0xFFFF  }
0x74: {  	_ =	shalt  }

// kernel: gather_offload_async_start
scs
__scs_entry_jumppad:
0x0: {  	(pc) =	sbr.rel $0x88, $3  }
0x1: {  	(tag) =	ssettag $0x0;
	lr =	simm.s32 $0x1  }
0x2: {  	[smem:$0x3F9D] =	sst lr;
	_ =	strace $0xD0000000  }
0x3: {  	_ = 	snop  }
0x4: {  	_ = 	snop  }
0x5: {  	_ = 	snop  }
0x6: {  	_ = 	snop  }
0x7: {  	_ = 	snop  }
__scs_overlays_trampoline_lowered:
0x8: {  	[smem:$0x3FAC] =	sst s0  }
0x9: {  	[smem:$0x3FAD] =	sst s1  }
0xa: {  	[smem:$0x3FAE] =	sst s2  }
0xb: {  	[smem:$0x3FAF] =	sst s3  }
0xc: {  	[smem:$0x3FB0] =	sst s4  }
0xd: {  	[smem:$0x3FB1] =	sst s5  }
0xe: {  	[smem:$0x3FB2] =	sst s6  }
0xf: {  	[smem:$0x3FB3] =	sst s7  }
0x10: {  	[smem:$0x3FB4] =	sst s8  }
0x11: {  	[smem:$0x3FB5] =	sst s9;
	s0 =	simm.s32 @!p0 $0x0  }
0x12: {  	s1 =	sld [smem:$0x3F9B];
	s0 =	simm.s32 @p0 $0x1  }
0x13: {  	[smem:$0x3FB6] =	sst s0;
	s0 =	simm.s32 @!p1 $0x0  }
0x14: {  	s2 =	sld [smem:$0x3F9A];
	s0 =	simm.s32 @p1 $0x1  }
0x15: {  	[smem:$0x3FB7] =	sst s0;
	s0 =	simm.s32 @!p2 $0x0  }
0x16: {  	s3 =	sld [smem:$0x3FDB];
	s0 =	simm.s32 @p2 $0x1  }
0x17: {  	s4 =	simm.s32 $0x1BF5;
	[smem:$0x3FB9] =	sst s0  }
0x18: {  	s0 =	sld [smem:$0x3F9C];
	_ =	swait.ge [sflag:s4], $0x0  }
0x19: {  	s7 =	sld [smem:$0x3F9D]  }
0x1a: {  	s8 =	sadd.s32 $0xFFFFE003, lr  }
0x1b: {  	s9 =	sadd.s32 $0xFFFFFEF7, lr;
	s5 =	simm.s32 $0xFFFFFFFF;
	p2 =	slt.u32 s8, $0xFFFFF086  }
0x1c: {  	p1 =	slt.u32 s9, $0xF7A;
	s5 =	simm.s32 @!p2 $0x0  }
0x1d: {  	s5 =	simm.s32 @p1 $0x1;
	p0 =	seq.s32 s7, s2  }
0x1e: {  	s7 =	smul.u32 @!p0 $0xF7A, s2;
	p2 =	seq.s32 @!p0 s5, $0x0  }
0x1f: {  	s9 =	smul.u32 $0xF7A, s1;
	s8 =	simm.s32 @!p0 $0x1BF5;
	p2 =	por !p2, p0  }
0x20: {  	[sflag:s8] =	ssyncset.s32 @!p0 $0xFFFFF086;
	s6 =	sadd.s32 @!p0 s3, s7;
	s7 =	simm.s32 @!p0 $0x108  }
0x21: {  	s3 =	sadd.s32 s3, s9;
	s6 =	sadd.s32 @!p0 $0x88, s6;
	s7 =	simm.s32 @p2 $0x1082  }
0x22: {  	[simem:s7], [sflag:s8] =	dma.local @!p0 [hbm:s6], $0xF7A  }
0x23: {  	s9 =	sor.u32 $0xD0000000, s2;
	s6 =	simm.s32 $0x108;
	_ =	swait.ge @!p0 [sflag:s8], $0x0  }
0x24: {  	s3 =	sadd.s32 $0x88, s3;
	s6 =	simm.s32 @!p1 $0x1082;
	[sflag:s4] =	ssyncset.s32 $0xFFFFF086  }
0x25: {  	[simem:s6], [sflag:s4] =	dma.local [hbm:s3], $0xF7A  }
0x26: {  	[smem:$0x3F9D] =	sst s1;
	(tag) =	ssettag s2;
	_ =	strace s9  }
0x27: {  	s1 =	sld [smem:$0x3FAD]  }
0x28: {  	s2 =	sld [smem:$0x3FAE]  }
0x29: {  	s4 =	sld [smem:$0x3FB0]  }
0x2a: {  	p0 =	seq.s32 s5, $0x0;
	s5 =	sld [smem:$0x3FB1]  }
0x2b: {  	s6 =	sld [smem:$0x3FB2]  }
0x2c: {  	s7 =	sld [smem:$0x3FB3]  }
0x2d: {  	s3 =	simm.s32 $0x108;
	s8 =	sld [smem:$0x3FB4]  }
0x2e: {  	s3 =	simm.s32 @!p0 $0x1082;
	s9 =	sld [smem:$0x3FB5]  }
0x2f: {  	lr =	sadd.s32 s0, s3;
	s0 =	sld [smem:$0x3FAC]  }
0x30: {  	s3 =	sld [smem:$0x3FAF]  }
0x31: {  	[smem:$0x3FB8] =	sst s10  }
0x32: {  	s10 =	sld [smem:$0x3FB6];
	_ =	sdelay $0x3  }
0x33: {  	p0 =	seq.s32 s10, $0x1;
	s10 =	sld [smem:$0x3FB8];
	_ =	sdelay $0x3  }
0x34: {  	[smem:$0x3FB8] =	sst s10  }
0x35: {  	s10 =	sld [smem:$0x3FB7];
	_ =	sdelay $0x3  }
0x36: {  	p1 =	seq.s32 s10, $0x1;
	s10 =	sld [smem:$0x3FB8];
	_ =	sdelay $0x3  }
0x37: {  	[smem:$0x3FB8] =	sst s10  }
0x38: {  	s10 =	sld [smem:$0x3FB9]  }
0x39: {  	_ = 	snop;
	(pc) =	sbr.ind lr, $3  }
0x3a: {  	_ = 	snop  }
0x3b: {  	_ = 	snop  }
0x3c: {  	p2 =	seq.s32 s10, $0x1;
	s10 =	sld [smem:$0x3FB8]  }
0x3d: {  	_ =	shalt  }
0x3e: {  	_ =	shalt  }
0x3f: {  	_ =	shalt  }
0x40: {  	_ =	shalt  }
0x41: {  	_ =	shalt  }
0x42: {  	_ =	shalt  }
0x43: {  	_ =	shalt  }
0x44: {  	_ =	shalt  }
0x45: {  	_ =	shalt  }
0x46: {  	_ =	shalt  }
0x47: {  	_ =	shalt  }
0x48: {  	_ =	shalt  }
0x49: {  	_ =	shalt  }
0x4a: {  	_ =	shalt  }
0x4b: {  	_ =	shalt  }
0x4c: {  	_ =	shalt  }
0x4d: {  	_ =	shalt  }
0x4e: {  	_ =	shalt  }
0x4f: {  	_ =	shalt  }
0x50: {  	_ =	shalt  }
0x51: {  	_ =	shalt  }
0x52: {  	_ =	shalt  }
0x53: {  	_ =	shalt  }
0x54: {  	_ =	shalt  }
0x55: {  	_ =	shalt  }
0x56: {  	_ =	shalt  }
0x57: {  	_ =	shalt  }
0x58: {  	_ =	shalt  }
0x59: {  	_ =	shalt  }
0x5a: {  	_ =	shalt  }
0x5b: {  	_ =	shalt  }
0x5c: {  	_ =	shalt  }
0x5d: {  	_ =	shalt  }
0x5e: {  	_ =	shalt  }
0x5f: {  	_ =	shalt  }
0x60: {  	_ =	shalt  }
0x61: {  	_ =	shalt  }
0x62: {  	_ =	shalt  }
0x63: {  	_ =	shalt  }
0x64: {  	_ =	shalt  }
0x65: {  	_ =	shalt  }
0x66: {  	_ =	shalt  }
0x67: {  	_ =	shalt  }
0x68: {  	_ =	shalt  }
0x69: {  	_ =	shalt  }
0x6a: {  	_ =	shalt  }
0x6b: {  	_ =	shalt  }
0x6c: {  	_ =	shalt  }
0x6d: {  	_ =	shalt  }
0x6e: {  	_ =	shalt  }
0x6f: {  	_ =	shalt  }
0x70: {  	_ =	shalt  }
0x71: {  	_ =	shalt  }
0x72: {  	_ =	shalt  }
0x73: {  	_ =	shalt  }
0x74: {  	_ =	shalt  }
0x75: {  	_ =	shalt  }
0x76: {  	_ =	shalt  }
0x77: {  	_ =	shalt  }
0x78: {  	_ =	shalt  }
0x79: {  	_ =	shalt  }
0x7a: {  	_ =	shalt  }
0x7b: {  	_ =	shalt  }
0x7c: {  	_ =	shalt  }
0x7d: {  	_ =	shalt  }
0x7e: {  	_ =	shalt  }
0x7f: {  	_ =	shalt  }
0x80: {  	_ =	shalt  }
0x81: {  	_ =	shalt  }
0x82: {  	_ =	shalt  }
0x83: {  	_ =	shalt  }
0x84: {  	_ =	shalt  }
0x85: {  	_ =	shalt  }
0x86: {  	_ =	shalt  }
0x87: {  	_ =	shalt  }
.Lfunc_end0:
.L_simem_size_0:
called_computation_lowered:
.L_overlay_start_0:
0x88: {  	s2 =	sld [smem:$0x3FD9]  }
0x89: {  	s3 =	sld [smem:$0x3FFE];
	_ =	sdelay $0x1  }
0x8a: {  	s1 =	srdreg.scid  }
0x8b: {  	s0 =	sand.u32 $0x1, s1  }
0x8c: {  	s17 =	sshll.u32 s0, $0xA;
	s2 =	sadd.s32 s3, s2  }
0x8d: {  	s2 =	sadd.s32 s2, s17  }
0x8e: {  	[smem:$0x3FC4] =	sst s2  }
0x8f: {  	_ = 	snop  }
0x90: {  	s2 =	sld [smem:$0x3FC7]  }
0x91: {  	s18 =	sld [smem:$0x3FD0];
	(tm) =	ssettm $0x1  }
0x92: {  	s4 =	sld [smem:$0x3FFB];
	_ =	sdelay $0x3  }
0x93: {  	_ =	strace s4  }
0x94: {  	s4 =	sld [smem:$0x3FFC];
	_ =	sdelay $0x3  }
0x95: {  	_ =	strace s4  }
0x96: {  	s4 =	sld [smem:$0x3FFD];
	_ =	sdelay $0x3  }
0x97: {  	_ =	strace s4  }
0x98: {  	_ =	strace $0x8FFFFFFF  }
0x99: {  	s19 =	sld [smem:$0x3FDB];
	_ =	sdelay $0x1  }
0x9a: {  	s5 =	simm.s32 $_scs_section_size  }
0x9b: {  	s6 =	simm.s32 $_size__tile_overlayer_lowered;
	s7 =	simm.s32 $_tile_overlayer_lowered  }
0x9c: {  	s22 =	simm.s32 $0x1BFF;
	s21 =	sshll.u32 s7, $0x1;
	s4 =	sadd.s32 s5, s19  }
0x9d: {  	s8 =	simm.s32 $0x0;
	s20 =	sshll.u32 s6, $0x1;
	s6 =	sadd.s32 s21, s4  }
0x9e: {  	[timem:s8], [sflag:s22] =	dma.local [hbm:s6], s20  }
0x9f: {  	_ =	swait.ge [sflag:s22], s20  }
0xa0: {  	s5 =	ssub.s32 $0x0, s20;
	[sflag:s22] =	ssyncset.done $0x0  }
0xa1: {  	[sflag:s22] =	ssyncadd.s32 s5;
	_ =	sdelay $0x1  }
0xa2: {  	s23 =	simm.s32 $0x1B8B  }
0xa3: {  	_ =	swait.ge [sflag:s23], $0x1  }
0xa4: {  	[sflag:s23] =	ssyncset.done $0x0  }
0xa5: {  	s25 =	simm.s32 $0x1B8E;
	s24 =	sld [smem:$0x3FFE];
	[sflag:s23] =	ssyncadd.s32 $0xFFFFFFFF  }
0xa6: {  	s26 =	simm.s32 $execute0_lowered;
	[smem:$0x3FD2] =	sst s25  }
0xa7: {  	s6 =	sshll.u32 s26, $0x1;
	_ =	strace $0x80000049;
	[dreg:$0x1] =	wrdreg $0xFFFFFFFF  }
0xa8: {  	s28 =	simm.s32 $_size_execute0_lowered;
	s4 =	sadd.s32 s4, s6;
	[dreg:$0x0] =	wrdreg $0x0  }
0xa9: {  	s6 =	sshll.u32 s28, $0x1;
	[dreg:$0x2] =	wrdreg s4  }
0xaa: {  	[dreg:$0x3] =	wrdreg s6  }
0xab: {  	[dreg:$0x4] =	wrdreg $0xC0  }
0xac: {  	_ =	task [dreg:s8], $0x5FFFF  }
0xad: {  	[dreg:$0x1] =	wrdreg $0xFFFFFFFF  }
0xae: {  	[dreg:$0x0] =	wrdreg $0x60  }
0xaf: {  	[dreg:$0x2] =	wrdreg s2  }
0xb0: {  	[dreg:$0x3] =	wrdreg s24  }
0xb1: {  	[dreg:$0x4] =	wrdreg s18  }
0xb2: {  	[dreg:$0x5] =	wrdreg $0x9  }
0xb3: {  	_ =	task.clear_ibuf [dreg:s8], $0x6FFFF;
	_ =	strace $0x90000049  }
0xb4: {  	s29 =	simm.s32 $0x9;
	_ =	strace $0x8000004B  }
0xb5: {  	_ =	swait.ge [sflag:s29], $0x1  }
0xb6: {  	[sflag:s29] =	ssyncadd.s32 $0xFFFFFFFF  }
0xb7: {  	_ =	strace $0x9000004B  }
0xb8: {  	_ =	sfence  }
0xb9: {  	s30 =	sld [smem:$0x0];
	_ =	sdelay $0x2  }
0xba: {  	s31 =	sshll.u32 s1, $0xD;
	s1 =	sshrl.u32 s1, $0x2  }
0xbb: {  	s3 =	sand.u32 $0x4000, s31;
	s1 =	sadd.s32 s1, s30  }
0xbc: {  	s0 =	sor.u32 s3, s0;
	s1 =	sshll.u32 s1, $0x11  }
0xbd: {  	s0 =	sor.u32 s1, s0  }
0xbe: {  	s0 =	sadd.s32 $0x8F2B, s0  }
0xbf: {  	[sflag:s0] =	ssyncadd.remote.s32 $0x1  }
0xc0: {  	_ =	sfence.sel $0xFFFF  }
0xc1: {  	[dreg:$0x0] =	wrdreg $0xFFFFFFFF;
	(pc) =	sbr.abs _section_cstart, $3  }
0xc2: {  	[dreg:$0x1] =	wrdreg $0xFFFFFFFF  }
0xc3: {  	_ =	task.clear_ibuf [dreg:s8], $0x2FFFF;
	_ =	strace $0x9FFFFFFF  }
0xc4: {  	(tm) =	ssettm $0x7FFFFFFF  }
0xc5: {  	_ =	shalt  }
tec
execute0_lowered:
.L_overlay_start_1:
0x0: {  	(tag) =	ssettag $0x1  }
0x1: {  	s2 =	rddreg [dreg:$0x0]  }
0x2: {  	s5 =	rddreg [dreg:$0x1]  }
0x3: {  	s3 =	rddreg [dreg:$0x2]  }
0x4: {  	s0 =	rddreg [dreg:$0x3]  }
0x5: {  	s4 =	srdreg.scid;
	_ =	strace $0x8000004A;
	s1 =	stileid.u32  }
0x6: {  	s8 =	simm.s32 $0x1;
	s9 =	simm.s32 $0x3;
	s10 =	simm.s32 $0x0  }
0x7: {  	s13 =	simm.s32 $0x0;
	s12 =	simm.s32 $0x0;
	s6 =	sshll.u32 s4, $0x7  }
.Ltmp0:
0x8: {  	s7 =	sshll.u32 s1, $0x8;
	s6 =	sand.u32 $0x80, s6;
	(pc) =	sbr.rel .LBB2_1-.Ltmp0, $4  }
0x9: {  	s4 =	simm.s32 $0x1;
	s5 =	sadd.s32 $0x800, s5;
	s6 =	sor.u32 s7, s6  }
0xa: {  	[sflag:s4] =	ssyncpa.u1 $0x0;
	s7 =	simm.s32 $0x2;
	p0 =	seq.s32 s6, $0xF80  }
0xb: {  	[sflag:s7] =	ssyncpa.u1 $0x0;
	s11 =	smov.u32 s6;
	s8 =	simm.s32 @!p0 $0x2  }
0xc: {  	vm0 =	vmmov $0xffff;
	v0 =	vlaneseq.u32;
	[sflag:s9] =	ssyncpa.u1 $0x0;
	p0 =	por $0x0, $0x0;
	s9 =	sadd.s32 $0x1, s8  }
.LBB2_4:
0xd: {  	vm1 =	veq.s32 v1, $0x80000000;
	v2 =	vshrl.u32 v1, $0xC  }
0xe: {  	v3 =	vshll.u32 v1, $0x13;
	v1 =	vshll.u32 v1, $0x7;
	s14 =	sadd.s32 $0xFFFFFFF0, s14;
	v2 =	vand.u32 $0x1FF, v2  }
0xf: {  	v3 =	vand.u32 $0x380000, v3;
	v1 =	vand.u32 $0x7FC00, v1;
	p1 =	sgt.s32 s14, $0x0;
	v2 =	vsel vm1, $0xFFFFFFFF, v2  }
0x10: {  	v1 =	vor.u32 v1, v3;
	s14 =	simm.s32 @!p1 $0x0;
	v3 =	vshll.u32 v2, $0x1  }
0x11: {  	v1 =	vsel vm1, $0xFFF7FC00, v1;
	s14 =	smin.u32 s14, $0x10;
	v3 =	vand.u32 $0xFFFFFF00, v3  }
0x12: {  	v2 =	vand.u32 $0x7F, v2;
	v1 =	vadd.s32 v1, v3;
	v3 =	vmov s14  }
0x13: {  	v1 =	vor.u32 v2, v1;
	vm1 =	vgt.u32 v3, v0  }
0x14: {  	v2 =	vnsel vm1, $0x7FFFFFFF, v1;
	_ =	sdelay $0x1  }
0x15: {  	v1 =	vor.u32 $0x80, v1  }
0x16: {  	(ifvalue) =	ssetifvalue $0x7FFFFFFF;
	v1 =	vnsel vm1, $0x7FFFFFFF, v1  }
0x17: {  	s29 =	sadd.s32 s18, s17;
	(ifvalue) =	ssetifvalue $0x7FFFFFFF  }
0x18: {  	[tilespmem:s29], [sflag:$0x1] =	stream.indirect_vreg.gather [hbm4b:s2+s10], $0x1, v2, vm0, $0x4038;
	[tilespmem:$0x300] =	vst v63  }
0x19: {  	(ifvalue) =	ssetifvalue $0x7FFFFFFF  }
0x1a: {  	s30 =	sshll.u32 s13, $0x1;
	s14 =	sadd.s32 $0x80, s29;
	(ifvalue) =	ssetifvalue $0x7FFFFFFF  }
0x1b: {  	[tilespmem:s14], [sflag:$0x1] =	stream.indirect_vreg.gather [hbm4b:s2+s10], $0x1, v1, vm0, $0x4038;
	[tilespmem:$0x300] =	vst v63  }
0x1c: {  	s31 =	sand.u32 $0x78, s13;
	s14 =	sand.u32 $0xFFFFFF00, s30  }
0x1d: {  	_ =	swait.ge [sflag:s4], $0x100;
	s13 =	sor.u32 s31, s14  }
0x1e: {  	[sflag:s4] =	ssyncset.done $0x0;
	s13 =	sshrl.u32 s13, $0x3  }
0x1f: {  	[sflag:s4] =	ssyncadd.s32 $0xFFFFFF00;
	s13 =	sadd.s32 s3, s13  }
0x20: {  	[hbm:s13] =	stream.linear.scatter [tilespmem:s16], [sflag:$0x3], $0x100, $0x38;
	[tilespmem:$0x300] =	vst v63  }
.LBB2_5:
0x21: {  	s15 =	sadd.s32 $0x1000, s11  }
0x22: {  	p2 =	sgt.s32 s15, $0x1F7F  }
0x23: {  	s15 =	smov.u32 @p2 s6;
	p2 =	sne.s32 s12, s9  }
.Ltmp1:
0x24: {  	p1 =	slt.u32 s12, $0x2;
	(pc) =	sbr.rel @!p2 .LBB2_6-.Ltmp1, $4  }
0x25: {  	s14 =	simm.s32 @!p1 $0x3  }
0x26: {  	s16 =	sadd.s32 $0x1, s12;
	_ =	swait.ge @!p1 [sflag:s14], $0x100  }
0x27: {  	s13 =	smov.u32 s11;
	p0 =	por !p0, !p0;
	[sflag:s14] =	ssyncset.done @!p1 $0x0  }
0x28: {  	s12 =	smov.u32 s16;
	s11 =	smov.u32 s15;
	[sflag:s14] =	ssyncadd.s32 @!p1 $0xFFFFFF00  }
.LBB2_1:
0x29: {  	p1 =	sge.u32 s12, s8  }
0x2a: {  	s14 =	sxor.u32 @!p1 $0xFFFFFFFF, s12  }
0x2b: {  	s31 =	sadd.s32 $0xFFFFFFFF, s12;
	s15 =	sshrl.u32 @!p1 s11, $0x3;
	s14 =	sshll.u32 @!p1 s14, $0x7  }
0x2c: {  	s16 =	sand.u32 @!p1 $0x7, s11;
	s15 =	sadd.s32 @!p1 s5, s15;
	s14 =	sand.u32 @!p1 $0x80, s14  }
0x2d: {  	[tilespmem:s14], [sflag:$0x2] =	stream.linear.gather @!p1 [hbm4b:s15+s16], $0x80, $0x38;
	[tilespmem:$0x300] =	vst v63  }
0x2e: {  	p1 =	sge.u32 s31, s8  }
.Ltmp2:
0x2f: {  	_ = 	snop;
	(pc) =	sbr.rel @p1 .LBB2_5-.Ltmp2, $1  }
0x30: {  	_ =	sdelay $0x3  }
0x31: {  	s16 =	simm.s32 $0x1  }
0x32: {  	_ =	swait.ge [sflag:s7], $0x80;
	s16 =	simm.s32 @!p0 $0x0  }
0x33: {  	[sflag:s7] =	ssyncset.done $0x0;
	s15 =	sshll.u32 s16, $0x7  }
0x34: {  	[sflag:s7] =	ssyncadd.s32 $0xFFFFFF80;
	s14 =	sadd.s32 $0x0, s15  }
0x35: {  	v1 =	vld.msk [tilespmem:s14+$0x0 ss:$0x1], $0xffff;
	_ =	sdelay $0x3  }
0x36: {  	s14 =	ssub.s32 $0x1F40, s13  }
0x37: {  	p1 =	slt.s32 s14, $0x80;
	vm1 =	veq.s32 v1, $0x80000000;
	v2 =	vshrl.u32 v1, $0xC  }
0x38: {  	s14 =	simm.s32 @!p1 $0x80;
	v3 =	vshll.u32 v1, $0x13;
	v1 =	vshll.u32 v1, $0x7;
	v2 =	vand.u32 $0x1FF, v2  }
0x39: {  	p1 =	sgt.s32 s14, $0x0;
	s17 =	smov.u32 s14;
	v3 =	vand.u32 $0x380000, v3;
	v1 =	vand.u32 $0x7FC00, v1;
	v2 =	vsel vm1, $0xFFFFFFFF, v2  }
0x3a: {  	s17 =	simm.s32 @!p1 $0x0;
	v1 =	vor.u32 v1, v3;
	v3 =	vshll.u32 v2, $0x1  }
0x3b: {  	s17 =	smin.u32 s17, $0x10;
	v1 =	vsel vm1, $0xFFF7FC00, v1;
	v3 =	vand.u32 $0xFFFFFF00, v3  }
0x3c: {  	v2 =	vand.u32 $0x7F, v2;
	v1 =	vadd.s32 v1, v3;
	v3 =	vmov s17  }
0x3d: {  	v1 =	vor.u32 v2, v1;
	vm1 =	vgt.u32 v3, v0  }
0x3e: {  	v2 =	vnsel vm1, $0x7FFFFFFF, v1;
	_ =	sdelay $0x1  }
0x3f: {  	s16 =	sshll.u32 s16, $0x8;
	v1 =	vor.u32 $0x80, v1  }
0x40: {  	(ifvalue) =	ssetifvalue $0x7FFFFFFF;
	s17 =	sadd.s32 $0x100, s16;
	v1 =	vnsel vm1, $0x7FFFFFFF, v1  }
0x41: {  	s18 =	sand.u32 $0x1, s12;
	(ifvalue) =	ssetifvalue $0x7FFFFFFF;
	s16 =	sadd.s32 $0x0, s17  }
0x42: {  	[tilespmem:s16], [sflag:$0x1] =	stream.indirect_vreg.gather [hbm4b:s2+s10], $0x1, v2, vm0, $0x4038;
	[tilespmem:$0x300] =	vst v63  }
0x43: {  	s31 =	sshll.u32 s18, $0x8;
	(ifvalue) =	ssetifvalue $0x7FFFFFFF  }
0x44: {  	s19 =	sadd.s32 $0x10, s15;
	s16 =	sadd.s32 $0x80, s16;
	(ifvalue) =	ssetifvalue $0x7FFFFFFF  }
0x45: {  	[tilespmem:s16], [sflag:$0x1] =	stream.indirect_vreg.gather [hbm4b:s2+s10], $0x1, v1, vm0, $0x4038;
	[tilespmem:$0x300] =	vst v63  }
0x46: {  	s18 =	simm.s32 $0x10;
	s16 =	sadd.s32 $0x100, s31;
	v1 =	vld.msk [tilespmem:s19+$0x0 ss:$0x1], $0xffff;
	s19 =	simm.s32 $0x80  }
.LBB2_3:
0x47: {  	p1 =	sne.s32 s19, $0x1C0;
	_ =	sdelay $0x4  }
0x48: {  	vm1 =	veq.s32 v1, $0x80000000;
	v2 =	vshrl.u32 v1, $0xC  }
0x49: {  	v3 =	vshll.u32 v1, $0x13;
	v1 =	vshll.u32 v1, $0x7;
	s14 =	sadd.s32 $0xFFFFFFF0, s14;
	v2 =	vand.u32 $0x1FF, v2  }
0x4a: {  	v3 =	vand.u32 $0x380000, v3;
	v1 =	vand.u32 $0x7FC00, v1;
	p2 =	sgt.s32 s14, $0x0;
	s20 =	smov.u32 s14;
	v2 =	vsel vm1, $0xFFFFFFFF, v2  }
0x4b: {  	v1 =	vor.u32 v1, v3;
	s20 =	simm.s32 @!p2 $0x0;
	v3 =	vshll.u32 v2, $0x1  }
0x4c: {  	v1 =	vsel vm1, $0xFFF7FC00, v1;
	s20 =	smin.u32 s20, $0x10;
	v3 =	vand.u32 $0xFFFFFF00, v3  }
0x4d: {  	v2 =	vand.u32 $0x7F, v2;
	v1 =	vadd.s32 v1, v3;
	v3 =	vmov s20  }
0x4e: {  	v1 =	vor.u32 v2, v1;
	vm1 =	vgt.u32 v3, v0  }
0x4f: {  	v2 =	vnsel vm1, $0x7FFFFFFF, v1;
	_ =	sdelay $0x1  }
0x50: {  	v1 =	vor.u32 $0x80, v1  }
0x51: {  	v1 =	vnsel vm1, $0x7FFFFFFF, v1;
	(ifvalue) =	ssetifvalue $0x7FFFFFFF  }
0x52: {  	s20 =	sadd.s32 s18, s17;
	(ifvalue) =	ssetifvalue $0x7FFFFFFF  }
0x53: {  	[tilespmem:s20], [sflag:$0x1] =	stream.indirect_vreg.gather [hbm4b:s2+s10], $0x1, v2, vm0, $0x4038;
	[tilespmem:$0x300] =	vst v63  }
.Ltmp3:
0x54: {  	_ = 	snop;
	(pc) =	sbr.rel @p1 .LBB2_3-.Ltmp3, $4  }
0x55: {  	s18 =	sshra.s32 s19, $0x2;
	(ifvalue) =	ssetifvalue $0x7FFFFFFF  }
0x56: {  	s21 =	sadd.s32 s18, s15;
	s20 =	sadd.s32 $0x80, s20;
	(ifvalue) =	ssetifvalue $0x7FFFFFFF  }
0x57: {  	[tilespmem:s20], [sflag:$0x1] =	stream.indirect_vreg.gather [hbm4b:s2+s10], $0x1, v1, vm0, $0x4038;
	[tilespmem:$0x300] =	vst v63  }
0x58: {  	s19 =	sadd.s32 $0x40, s19;
	v1 =	vld.msk [tilespmem:s21+$0x0 ss:$0x1], $0xffff  }
.Ltmp4:
0x59: {  	_ = 	snop;
	(pc) =	sbr.rel .LBB2_4-.Ltmp4, $1  }
0x5a: {  	_ =	sdelay $0x3  }
.LBB2_6:
0x5b: {  	_ =	sfence.sel $0x180000  }
0x5c: {  	s2 =	simm.s32 $0x2;
	[bflag:$0x0] =	sbarrier.arrive $0xFFFF  }
0x5d: {  	s30 =	simm.s32 $0x3;
	[sflag:s2] =	ssyncpa.u1 $0x1  }
0x5e: {  	s31 =	simm.s32 $0x1;
	[sflag:s30] =	ssyncpa.u1 $0x1  }
0x5f: {  	[sflag:s31] =	ssyncpa.u1 $0x1  }
0x60: {  	p0 =	sne.s32 s1, $0x0;
	_ =	strace $0x9000004A  }
0x61: {  	s0 =	sadd.s32 @!p0 $0x100000, s0;
	[bflag:$0x2] =	sbarrier.arrive $0xFFFF  }
0x62: {  	[sflag:s0] =	ssyncadd.tile.s32 @!p0 $0x1;
	_ =	shalt  }
.Lfunc_end2:
_tile_overlayer_lowered:
.L_overlay_start_2:
0x63: {  	(tag) =	ssettag $0x2  }
0x64: {  	s0 =	rddreg [dreg:$0x0];
	s2 =	stileid.u32  }
0x65: {  	s1 =	rddreg [dreg:$0x1];
	p0 =	sne.s32 s2, $0x0  }
0x66: {  	s3 =	rddreg [dreg:$0x2];
	[bflag:$0x3] =	sbarrier.arrive $0xFFFF;
	s2 =	simm.s32 @!p0 $0x1C01  }
0x67: {  	[timem:s3], [sflag:s2] =	dma.local @!p0 [hbm:s0], s1  }
0x68: {  	s0 =	simm.s32 @!p0 $0x1  }
0x69: {  	_ =	swait.ge @!p0 [sflag:s0], s1  }
0x6a: {  	s1 =	ssub.s32 @!p0 $0x0, s1;
	[sflag:s0] =	ssyncset.done @!p0 $0x0  }
0x6b: {  	[sflag:s0] =	ssyncadd.s32 @!p0 s1  }
0x6c: {  	[bflag:$0x3] =	sbarrier.arrive $0xFFFF  }
0x6d: {  	_ =	shalt  }

</sc_bundles>
